<compile_context>
chip_gen: v7x
topology: tpu7x:2x2x1
jax: 0.10.2.dev20260603
libtpu: 0.0.44.dev20260713+nightly
codegen_flags: <defaults>
</compile_context>

<pallas_src>
import functools

import jax
import jax.numpy as jnp
from jax import lax
from jax.experimental import pallas as pl
from jax.experimental.pallas import tpu as pltpu
from jax.experimental.pallas import tpu_sc as plsc

_RC = 3.0
_N_NODES = 100000
_N_EDGES = 6400000
_E0_HALF = 2.0 * ((1.0 / _RC) ** 12 - (1.0 / _RC) ** 6)

_NC = 2
_NS = 16
_L = 16
_NW = _NC * _NS
_EPT = _N_EDGES // _NW
_CHUNK = 4000
_NCHUNK = _EPT // _CHUNK
_PAD = 100352
_SL = _PAD // _NS
_SLH = _SL // 2

_mesh = plsc.VectorSubcoreMesh(core_axis_name="c", subcore_axis_name="s")


@functools.partial(
    pl.kernel,
    mesh=_mesh,
    out_type=jax.ShapeDtypeStruct((_NW, _PAD), jnp.float32),
    scratch_types=[
        pltpu.VMEM((_CHUNK,), jnp.float32),
        pltpu.VMEM((_CHUNK,), jnp.float32),
        pltpu.VMEM((_CHUNK,), jnp.int32),
        pltpu.VMEM((_CHUNK,), jnp.int32),
        pltpu.VMEM((_PAD,), jnp.float32),
        pltpu.SemaphoreType.DMA,
        pltpu.SemaphoreType.DMA,
        pltpu.SemaphoreType.DMA,
        pltpu.SemaphoreType.DMA,
    ],
    compiler_params=pltpu.CompilerParams(needs_layout_passes=False),
)
def _sc_lj_scatter(
    dist_hbm, idx_hbm, out_hbm,
    dist0, dist1, idx0, idx1, acc_v,
    sd0, sd1, si0, si1,
):
    cid = lax.axis_index("c")
    sid = lax.axis_index("s")
    wid = sid * _NC + cid
    base = wid * _EPT

    def issue(off, db, ib, sdm, sim):
        pltpu.async_copy(dist_hbm.at[pl.ds(off, _CHUNK)], db, sdm)
        pltpu.async_copy(idx_hbm.at[pl.ds(off, _CHUNK)], ib, sim)

    def drain(db, ib, sdm, sim):
        pltpu.make_async_copy(dist_hbm.at[pl.ds(0, _CHUNK)], db, sdm).wait()
        pltpu.make_async_copy(idx_hbm.at[pl.ds(0, _CHUNK)], ib, sim).wait()

    def compute(db, ib):
        @plsc.parallel_loop(0, _CHUNK // _L, unroll=10)
        def _body(j):
            d = db[pl.ds(j * _L, _L)]
            ix = ib[pl.ds(j * _L, _L)]
            r = 1.0 / d
            r2 = r * r
            r6 = r2 * r2 * r2
            en = (r6 * r6 - r6) * 2.0 - _E0_HALF
            plsc.addupdate_scatter(acc_v, [ix], en)

    issue(base, dist0, idx0, sd0, si0)

    zero = jnp.zeros((_L,), jnp.float32)

    @plsc.parallel_loop(0, _PAD // (_L * 8))
    def _zero(i):
        for u in range(8):
            acc_v[pl.ds(i * (_L * 8) + u * _L, _L)] = zero

    def _outer(g, carry):
        off0 = base + (2 * g) * _CHUNK
        drain(dist0, idx0, sd0, si0)
        issue(off0 + _CHUNK, dist1, idx1, sd1, si1)
        compute(dist0, idx0)

        @pl.when(g < _NCHUNK // 2 - 1)
        def _():
            issue(off0 + 2 * _CHUNK, dist0, idx0, sd0, si0)

        drain(dist1, idx1, sd1, si1)
        compute(dist1, idx1)
        return carry

    lax.fori_loop(0, _NCHUNK // 2, _outer, 0)

    pltpu.sync_copy(acc_v, out_hbm.at[wid])


def _tc_reduce_body(p_ref, o_ref):
    o_ref[...] = jnp.sum(p_ref[...], axis=0)


_tc_reduce = pl.pallas_call(
    _tc_reduce_body,
    out_shape=jax.ShapeDtypeStruct((_PAD,), jnp.float32),
)


def kernel(dist, ind_1, ind_2):
    del ind_1
    idx = ind_2[:, 0].astype(jnp.int32)
    partials = _sc_lj_scatter(dist, idx)
    en = _tc_reduce(partials)
    return en[:_N_NODES]

# --- scband reference (transcript-rebuilt; emitter-appended) ---
"""Pipeline reference for scband-lj-39539468927522 (READ-ONLY COPY).

The authoritative reference and input builder live on the scoring server;
editing this copy changes nothing except your own understanding.
"""

import jax, jax.numpy as jnp
import numpy as np

RC = 3.0
SIGMA = 1.0
EPSILON = 1.0
N_NODES = 100000
N_EDGES = 6400000
NBATCH = 4


def setup_inputs(seed: int = 0) -> dict:
    key = jax.random.key(seed)
    k1, k2, k3 = jax.random.split(key, 3)
    # pair distances: keep strictly positive and physically sensible (0.5, rc)
    dist = jax.random.uniform(k1, (N_EDGES,), dtype=jnp.float32, minval=0.5, maxval=RC)
    # ind_1: per-atom batch index, shape [natom, 1]
    ind_1 = jax.random.randint(k2, (N_NODES, 1), 0, NBATCH, dtype=jnp.int64)
    # ind_2: per-pair atom indices, shape [npairs, 2]; column 0 is the center atom
    ind_2 = jax.random.randint(k3, (N_EDGES, 2), 0, N_NODES, dtype=jnp.int64)
    return {"dist": dist, "ind_1": ind_1, "ind_2": ind_2}


def reference(dist, ind_1, ind_2):
    rc, sigma, epsilon = RC, SIGMA, EPSILON
    # shifted Lennard-Jones energy per pair
    e0 = 4.0 * epsilon * ((sigma / rc) ** 12 - (sigma / rc) ** 6)
    c6 = (sigma / dist) ** 6
    c12 = c6 ** 2
    en = 4.0 * epsilon * (c12 - c6) - e0
    natom = ind_1.shape[0]
    # unsorted_segment_sum over center-atom index -> per-atom energy
    en = jax.ops.segment_sum(en, ind_2[:, 0], num_segments=natom)
    return en / 2.0

if __name__ == "__main__":
    import jax
    _d = setup_inputs()
    print(jax.jit(kernel)(*tuple(_d.values())))

</pallas_src>

<mosaic_0001>
#map = affine_map<(d0, d1) -> (0)>
#map1 = affine_map<(d0, d1) -> (0, 0)>
module attributes {stable_mosaic.version = 14 : i64} {
  func.func @_sc_lj_scatter(%arg0: i32, %arg1: i32, %arg2: memref<6400000xf32, #tpu.memory_space<hbm>>, %arg3: memref<6400000xi32, #tpu.memory_space<hbm>>, %arg4: memref<32x100352xf32, #tpu.memory_space<hbm>>, %arg5: memref<4000xf32, #tpu.memory_space<vmem>>, %arg6: memref<4000xf32, #tpu.memory_space<vmem>>, %arg7: memref<4000xi32, #tpu.memory_space<vmem>>, %arg8: memref<4000xi32, #tpu.memory_space<vmem>>, %arg9: memref<100352xf32, #tpu.memory_space<vmem>>, %arg10: memref<!tpu.dma_semaphore, #tpu.memory_space<semaphore_mem>>, %arg11: memref<!tpu.dma_semaphore, #tpu.memory_space<semaphore_mem>>, %arg12: memref<!tpu.dma_semaphore, #tpu.memory_space<semaphore_mem>>, %arg13: memref<!tpu.dma_semaphore, #tpu.memory_space<semaphore_mem>>) attributes {dimension_semantics = [#tpu.dimension_semantics<core_parallel>, #tpu.dimension_semantics<subcore_parallel>], iteration_bounds = array<i64: 2, 16>, scalar_prefetch = 0 : i64, scratch_operands = 9 : i64, tpu.core_type = #tpu.core_type<sc_vector_subcore>, window_params = [{transform_indices = #map}, {transform_indices = #map}, {transform_indices = #map1}]} {
    %mul3A = arith.constant 2 : i32
    %mul3A_0 = arith.muli %arg1, %mul3A : i32
    %add3A = arith.addi %mul3A_0, %arg0 : i32
    %mul3A_1 = arith.constant 200000 : i32
    %mul3A_2 = arith.muli %add3A, %mul3A_1 : i32
    %dma_start3A = tpu.memref_slice %arg2[%mul3A_2] : memref<6400000xf32, #tpu.memory_space<hbm>> -> memref<4000xf32, #tpu.memory_space<hbm>>
    %dma_start3A_3 = tpu.memref_slice %arg2[%mul3A_2] : memref<6400000xf32, #tpu.memory_space<hbm>> -> memref<4000xf32, #tpu.memory_space<hbm>>
    tpu.enqueue_dma source(%dma_start3A_3 : memref<4000xf32, #tpu.memory_space<hbm>>) target(%arg5 : memref<4000xf32, #tpu.memory_space<vmem>>) target_semaphore(%arg10 : memref<!tpu.dma_semaphore, #tpu.memory_space<semaphore_mem>>)
    %dma_start3A_4 = tpu.memref_slice %arg3[%mul3A_2] : memref<6400000xi32, #tpu.memory_space<hbm>> -> memref<4000xi32, #tpu.memory_space<hbm>>
    %dma_start3A_5 = tpu.memref_slice %arg3[%mul3A_2] : memref<6400000xi32, #tpu.memory_space<hbm>> -> memref<4000xi32, #tpu.memory_space<hbm>>
    tpu.enqueue_dma source(%dma_start3A_5 : memref<4000xi32, #tpu.memory_space<hbm>>) target(%arg7 : memref<4000xi32, #tpu.memory_space<vmem>>) target_semaphore(%arg12 : memref<!tpu.dma_semaphore, #tpu.memory_space<semaphore_mem>>)
    %broadcast_in_dim3A = arith.constant 0.000000e+00 : f32
    %broadcast_in_dim3A_6 = vector.broadcast %broadcast_in_dim3A : f32 to vector<16xf32>
    %parallel_loop3A = arith.constant 0 : i32
    %parallel_loop3A_7 = arith.constant 784 : i32
    %parallel_loop3A_8 = arith.constant 1 : i32
    scf.for %parallel_loop3A_14 = %parallel_loop3A to %parallel_loop3A_7 step %parallel_loop3A_8  : i32 {
      %parallel_loop3A_15 = arith.constant 128 : i32
      %parallel_loop3A_16 = arith.muli %parallel_loop3A_14, %parallel_loop3A_15 : i32
      %parallel_loop3A_17 = arith.constant 0 : i32
      %parallel_loop3A_18 = arith.addi %parallel_loop3A_16, %parallel_loop3A_17 : i32
      %parallel_loop3A_19 = arith.index_cast %parallel_loop3A_18 : i32 to index
      %parallel_loop3A_20 = tpu.vector_load %arg9[%parallel_loop3A_19] {strides = array<i32>} : memref<100352xf32, #tpu.memory_space<vmem>>, vector<16xf32>,
      tpu.vector_store %arg9[%parallel_loop3A_19], %broadcast_in_dim3A_6 {strides = array<i32>} : memref<100352xf32, #tpu.memory_space<vmem>>, vector<16xf32>,
      %parallel_loop3A_21 = arith.constant 128 : i32
      %parallel_loop3A_22 = arith.muli %parallel_loop3A_14, %parallel_loop3A_21 : i32
      %parallel_loop3A_23 = arith.constant 16 : i32
      %parallel_loop3A_24 = arith.addi %parallel_loop3A_22, %parallel_loop3A_23 : i32
      %parallel_loop3A_25 = arith.index_cast %parallel_loop3A_24 : i32 to index
      %parallel_loop3A_26 = tpu.vector_load %arg9[%parallel_loop3A_25] {strides = array<i32>} : memref<100352xf32, #tpu.memory_space<vmem>>, vector<16xf32>,
      tpu.vector_store %arg9[%parallel_loop3A_25], %broadcast_in_dim3A_6 {strides = array<i32>} : memref<100352xf32, #tpu.memory_space<vmem>>, vector<16xf32>,
      %parallel_loop3A_27 = arith.constant 128 : i32
      %parallel_loop3A_28 = arith.muli %parallel_loop3A_14, %parallel_loop3A_27 : i32
      %parallel_loop3A_29 = arith.constant 32 : i32
      %parallel_loop3A_30 = arith.addi %parallel_loop3A_28, %parallel_loop3A_29 : i32
      %parallel_loop3A_31 = arith.index_cast %parallel_loop3A_30 : i32 to index
      %parallel_loop3A_32 = tpu.vector_load %arg9[%parallel_loop3A_31] {strides = array<i32>} : memref<100352xf32, #tpu.memory_space<vmem>>, vector<16xf32>,
      tpu.vector_store %arg9[%parallel_loop3A_31], %broadcast_in_dim3A_6 {strides = array<i32>} : memref<100352xf32, #tpu.memory_space<vmem>>, vector<16xf32>,
      %parallel_loop3A_33 = arith.constant 128 : i32
      %parallel_loop3A_34 = arith.muli %parallel_loop3A_14, %parallel_loop3A_33 : i32
      %parallel_loop3A_35 = arith.constant 48 : i32
      %parallel_loop3A_36 = arith.addi %parallel_loop3A_34, %parallel_loop3A_35 : i32
      %parallel_loop3A_37 = arith.index_cast %parallel_loop3A_36 : i32 to index
      %parallel_loop3A_38 = tpu.vector_load %arg9[%parallel_loop3A_37] {strides = array<i32>} : memref<100352xf32, #tpu.memory_space<vmem>>, vector<16xf32>,
      tpu.vector_store %arg9[%parallel_loop3A_37], %broadcast_in_dim3A_6 {strides = array<i32>} : memref<100352xf32, #tpu.memory_space<vmem>>, vector<16xf32>,
      %parallel_loop3A_39 = arith.constant 128 : i32
      %parallel_loop3A_40 = arith.muli %parallel_loop3A_14, %parallel_loop3A_39 : i32
      %parallel_loop3A_41 = arith.constant 64 : i32
      %parallel_loop3A_42 = arith.addi %parallel_loop3A_40, %parallel_loop3A_41 : i32
      %parallel_loop3A_43 = arith.index_cast %parallel_loop3A_42 : i32 to index
      %parallel_loop3A_44 = tpu.vector_load %arg9[%parallel_loop3A_43] {strides = array<i32>} : memref<100352xf32, #tpu.memory_space<vmem>>, vector<16xf32>,
      tpu.vector_store %arg9[%parallel_loop3A_43], %broadcast_in_dim3A_6 {strides = array<i32>} : memref<100352xf32, #tpu.memory_space<vmem>>, vector<16xf32>,
      %parallel_loop3A_45 = arith.constant 128 : i32
      %parallel_loop3A_46 = arith.muli %parallel_loop3A_14, %parallel_loop3A_45 : i32
      %parallel_loop3A_47 = arith.constant 80 : i32
      %parallel_loop3A_48 = arith.addi %parallel_loop3A_46, %parallel_loop3A_47 : i32
      %parallel_loop3A_49 = arith.index_cast %parallel_loop3A_48 : i32 to index
      %parallel_loop3A_50 = tpu.vector_load %arg9[%parallel_loop3A_49] {strides = array<i32>} : memref<100352xf32, #tpu.memory_space<vmem>>, vector<16xf32>,
      tpu.vector_store %arg9[%parallel_loop3A_49], %broadcast_in_dim3A_6 {strides = array<i32>} : memref<100352xf32, #tpu.memory_space<vmem>>, vector<16xf32>,
      %parallel_loop3A_51 = arith.constant 128 : i32
      %parallel_loop3A_52 = arith.muli %parallel_loop3A_14, %parallel_loop3A_51 : i32
      %parallel_loop3A_53 = arith.constant 96 : i32
      %parallel_loop3A_54 = arith.addi %parallel_loop3A_52, %parallel_loop3A_53 : i32
      %parallel_loop3A_55 = arith.index_cast %parallel_loop3A_54 : i32 to index
      %parallel_loop3A_56 = tpu.vector_load %arg9[%parallel_loop3A_55] {strides = array<i32>} : memref<100352xf32, #tpu.memory_space<vmem>>, vector<16xf32>,
      tpu.vector_store %arg9[%parallel_loop3A_55], %broadcast_in_dim3A_6 {strides = array<i32>} : memref<100352xf32, #tpu.memory_space<vmem>>, vector<16xf32>,
      %parallel_loop3A_57 = arith.constant 128 : i32
      %parallel_loop3A_58 = arith.muli %parallel_loop3A_14, %parallel_loop3A_57 : i32
      %parallel_loop3A_59 = arith.constant 112 : i32
      %parallel_loop3A_60 = arith.addi %parallel_loop3A_58, %parallel_loop3A_59 : i32
      %parallel_loop3A_61 = arith.index_cast %parallel_loop3A_60 : i32 to index
      %parallel_loop3A_62 = tpu.vector_load %arg9[%parallel_loop3A_61] {strides = array<i32>} : memref<100352xf32, #tpu.memory_space<vmem>>, vector<16xf32>,
      tpu.vector_store %arg9[%parallel_loop3A_61], %broadcast_in_dim3A_6 {strides = array<i32>} : memref<100352xf32, #tpu.memory_space<vmem>>, vector<16xf32>,
    } {sc.loop_unroll_factor = 1 : i64, sc.parallel_access}
    %scan3A = arith.constant 0 : i32
    %scan3A_9 = arith.constant 0 : i32
    %scan3A_10 = arith.constant 25 : i32
    %scan3A_11 = arith.addi %scan3A_9, %scan3A_10 : i32
    %scan3A_12 = arith.constant 1 : i32
    scf.for %scan3A_14 = %scan3A_9 to %scan3A_11 step %scan3A_12  : i32 {
      %mul3A_15 = arith.constant 2 : i32
      %mul3A_16 = arith.muli %mul3A_15, %scan3A_14 : i32
      %mul3A_17 = arith.constant 4000 : i32
      %mul3A_18 = arith.muli %mul3A_16, %mul3A_17 : i32
      %add3A_19 = arith.addi %mul3A_2, %mul3A_18 : i32
      %dma_wait3A = arith.constant 0 : i32
      %dma_wait3A_20 = tpu.memref_slice %arg2[%dma_wait3A] : memref<6400000xf32, #tpu.memory_space<hbm>> -> memref<4000xf32, #tpu.memory_space<hbm>>
      %dma_wait3A_21 = arith.constant 0 : i32
      %dma_wait3A_22 = tpu.memref_slice %arg2[%dma_wait3A_21] : memref<6400000xf32, #tpu.memory_space<hbm>> -> memref<4000xf32, #tpu.memory_space<hbm>>
      tpu.wait_dma2 semaphore(%arg10 : memref<!tpu.dma_semaphore, #tpu.memory_space<semaphore_mem>>) src(%dma_wait3A_22 : memref<4000xf32, #tpu.memory_space<hbm>>) dst(%arg5 : memref<4000xf32, #tpu.memory_space<vmem>>)
      %dma_wait3A_23 = arith.constant 0 : i32
      %dma_wait3A_24 = tpu.memref_slice %arg3[%dma_wait3A_23] : memref<6400000xi32, #tpu.memory_space<hbm>> -> memref<4000xi32, #tpu.memory_space<hbm>>
      %dma_wait3A_25 = arith.constant 0 : i32
      %dma_wait3A_26 = tpu.memref_slice %arg3[%dma_wait3A_25] : memref<6400000xi32, #tpu.memory_space<hbm>> -> memref<4000xi32, #tpu.memory_space<hbm>>
      tpu.wait_dma2 semaphore(%arg12 : memref<!tpu.dma_semaphore, #tpu.memory_space<semaphore_mem>>) src(%dma_wait3A_26 : memref<4000xi32, #tpu.memory_space<hbm>>) dst(%arg7 : memref<4000xi32, #tpu.memory_space<vmem>>)
      %add3A_27 = arith.constant 4000 : i32
      %add3A_28 = arith.addi %add3A_19, %add3A_27 : i32
      %dma_start3A_29 = tpu.memref_slice %arg2[%add3A_28] : memref<6400000xf32, #tpu.memory_space<hbm>> -> memref<4000xf32, #tpu.memory_space<hbm>>
      %dma_start3A_30 = tpu.memref_slice %arg2[%add3A_28] : memref<6400000xf32, #tpu.memory_space<hbm>> -> memref<4000xf32, #tpu.memory_space<hbm>>
      tpu.enqueue_dma source(%dma_start3A_30 : memref<4000xf32, #tpu.memory_space<hbm>>) target(%arg6 : memref<4000xf32, #tpu.memory_space<vmem>>) target_semaphore(%arg11 : memref<!tpu.dma_semaphore, #tpu.memory_space<semaphore_mem>>)
      %dma_start3A_31 = tpu.memref_slice %arg3[%add3A_28] : memref<6400000xi32, #tpu.memory_space<hbm>> -> memref<4000xi32, #tpu.memory_space<hbm>>
      %dma_start3A_32 = tpu.memref_slice %arg3[%add3A_28] : memref<6400000xi32, #tpu.memory_space<hbm>> -> memref<4000xi32, #tpu.memory_space<hbm>>
      tpu.enqueue_dma source(%dma_start3A_32 : memref<4000xi32, #tpu.memory_space<hbm>>) target(%arg8 : memref<4000xi32, #tpu.memory_space<vmem>>) target_semaphore(%arg13 : memref<!tpu.dma_semaphore, #tpu.memory_space<semaphore_mem>>)
      %parallel_loop3A_33 = arith.constant 0 : i32
      %parallel_loop3A_34 = arith.constant 250 : i32
      %parallel_loop3A_35 = arith.constant 1 : i32
      scf.for %parallel_loop3A_49 = %parallel_loop3A_33 to %parallel_loop3A_34 step %parallel_loop3A_35  : i32 {
        %parallel_loop3A_50 = arith.constant 16 : i32
        %parallel_loop3A_51 = arith.muli %parallel_loop3A_49, %parallel_loop3A_50 : i32
        %parallel_loop3A_52 = arith.index_cast %parallel_loop3A_51 : i32 to index
        %parallel_loop3A_53 = tpu.vector_load %arg5[%parallel_loop3A_52] {strides = array<i32>} : memref<4000xf32, #tpu.memory_space<vmem>>, vector<16xf32>,
        %parallel_loop3A_54 = arith.constant 16 : i32
        %parallel_loop3A_55 = arith.muli %parallel_loop3A_49, %parallel_loop3A_54 : i32
        %parallel_loop3A_56 = arith.index_cast %parallel_loop3A_55 : i32 to index
        %parallel_loop3A_57 = tpu.vector_load %arg7[%parallel_loop3A_56] {strides = array<i32>} : memref<4000xi32, #tpu.memory_space<vmem>>, vector<16xi32>,
        %parallel_loop3A_58 = arith.constant 1.000000e+00 : f32
        %parallel_loop3A_59 = vector.broadcast %parallel_loop3A_58 : f32 to vector<16xf32>
        %parallel_loop3A_60 = arith.divf %parallel_loop3A_59, %parallel_loop3A_53 : vector<16xf32>
        %parallel_loop3A_61 = arith.mulf %parallel_loop3A_60, %parallel_loop3A_60 : vector<16xf32>
        %parallel_loop3A_62 = arith.mulf %parallel_loop3A_61, %parallel_loop3A_61 : vector<16xf32>
        %parallel_loop3A_63 = arith.mulf %parallel_loop3A_62, %parallel_loop3A_61 : vector<16xf32>
        %parallel_loop3A_64 = arith.mulf %parallel_loop3A_63, %parallel_loop3A_63 : vector<16xf32>
        %parallel_loop3A_65 = arith.subf %parallel_loop3A_64, %parallel_loop3A_63 : vector<16xf32>
        %parallel_loop3A_66 = arith.constant 2.000000e+00 : f32
        %parallel_loop3A_67 = vector.broadcast %parallel_loop3A_66 : f32 to vector<16xf32>
        %parallel_loop3A_68 = arith.mulf %parallel_loop3A_65, %parallel_loop3A_67 : vector<16xf32>
        %parallel_loop3A_69 = arith.constant -0.00273972098 : f32
        %parallel_loop3A_70 = vector.broadcast %parallel_loop3A_69 : f32 to vector<16xf32>
        %parallel_loop3A_71 = arith.subf %parallel_loop3A_68, %parallel_loop3A_70 : vector<16xf32>
        tpu.vector_store_idx %arg9[%parallel_loop3A_57], %parallel_loop3A_71 {add = true} : memref<100352xf32, #tpu.memory_space<vmem>>[vector<16xi32>], vector<16xf32>,
      } {sc.loop_unroll_factor = 10 : i64, sc.parallel_access}
      %lt3A = arith.constant 24 : i32
      %lt3A_36 = arith.cmpi slt, %scan3A_14, %lt3A : i32
      %convert_element_type3A = arith.extui %lt3A_36 : i1 to i32
      %cond3A = arith.constant 0 : i32
      %cond3A_37 = arith.cmpi ne, %convert_element_type3A, %cond3A : i32
      scf.if %cond3A_37 {
        %add3A_49 = arith.constant 8000 : i32
        %add3A_50 = arith.addi %add3A_19, %add3A_49 : i32
        %dma_start3A_51 = tpu.memref_slice %arg2[%add3A_50] : memref<6400000xf32, #tpu.memory_space<hbm>> -> memref<4000xf32, #tpu.memory_space<hbm>>
        %dma_start3A_52 = tpu.memref_slice %arg2[%add3A_50] : memref<6400000xf32, #tpu.memory_space<hbm>> -> memref<4000xf32, #tpu.memory_space<hbm>>
        tpu.enqueue_dma source(%dma_start3A_52 : memref<4000xf32, #tpu.memory_space<hbm>>) target(%arg5 : memref<4000xf32, #tpu.memory_space<vmem>>) target_semaphore(%arg10 : memref<!tpu.dma_semaphore, #tpu.memory_space<semaphore_mem>>)
        %dma_start3A_53 = tpu.memref_slice %arg3[%add3A_50] : memref<6400000xi32, #tpu.memory_space<hbm>> -> memref<4000xi32, #tpu.memory_space<hbm>>
        %dma_start3A_54 = tpu.memref_slice %arg3[%add3A_50] : memref<6400000xi32, #tpu.memory_space<hbm>> -> memref<4000xi32, #tpu.memory_space<hbm>>
        tpu.enqueue_dma source(%dma_start3A_54 : memref<4000xi32, #tpu.memory_space<hbm>>) target(%arg7 : memref<4000xi32, #tpu.memory_space<vmem>>) target_semaphore(%arg12 : memref<!tpu.dma_semaphore, #tpu.memory_space<semaphore_mem>>)
      } else {
      }
      %dma_wait3A_38 = arith.constant 0 : i32
      %dma_wait3A_39 = tpu.memref_slice %arg2[%dma_wait3A_38] : memref<6400000xf32, #tpu.memory_space<hbm>> -> memref<4000xf32, #tpu.memory_space<hbm>>
      %dma_wait3A_40 = arith.constant 0 : i32
      %dma_wait3A_41 = tpu.memref_slice %arg2[%dma_wait3A_40] : memref<6400000xf32, #tpu.memory_space<hbm>> -> memref<4000xf32, #tpu.memory_space<hbm>>
      tpu.wait_dma2 semaphore(%arg11 : memref<!tpu.dma_semaphore, #tpu.memory_space<semaphore_mem>>) src(%dma_wait3A_41 : memref<4000xf32, #tpu.memory_space<hbm>>) dst(%arg6 : memref<4000xf32, #tpu.memory_space<vmem>>)
      %dma_wait3A_42 = arith.constant 0 : i32
      %dma_wait3A_43 = tpu.memref_slice %arg3[%dma_wait3A_42] : memref<6400000xi32, #tpu.memory_space<hbm>> -> memref<4000xi32, #tpu.memory_space<hbm>>
      %dma_wait3A_44 = arith.constant 0 : i32
      %dma_wait3A_45 = tpu.memref_slice %arg3[%dma_wait3A_44] : memref<6400000xi32, #tpu.memory_space<hbm>> -> memref<4000xi32, #tpu.memory_space<hbm>>
      tpu.wait_dma2 semaphore(%arg13 : memref<!tpu.dma_semaphore, #tpu.memory_space<semaphore_mem>>) src(%dma_wait3A_45 : memref<4000xi32, #tpu.memory_space<hbm>>) dst(%arg8 : memref<4000xi32, #tpu.memory_space<vmem>>)
      %parallel_loop3A_46 = arith.constant 0 : i32
      %parallel_loop3A_47 = arith.constant 250 : i32
      %parallel_loop3A_48 = arith.constant 1 : i32
      scf.for %parallel_loop3A_49 = %parallel_loop3A_46 to %parallel_loop3A_47 step %parallel_loop3A_48  : i32 {
        %parallel_loop3A_50 = arith.constant 16 : i32
        %parallel_loop3A_51 = arith.muli %parallel_loop3A_49, %parallel_loop3A_50 : i32
        %parallel_loop3A_52 = arith.index_cast %parallel_loop3A_51 : i32 to index
        %parallel_loop3A_53 = tpu.vector_load %arg6[%parallel_loop3A_52] {strides = array<i32>} : memref<4000xf32, #tpu.memory_space<vmem>>, vector<16xf32>,
        %parallel_loop3A_54 = arith.constant 16 : i32
        %parallel_loop3A_55 = arith.muli %parallel_loop3A_49, %parallel_loop3A_54 : i32
        %parallel_loop3A_56 = arith.index_cast %parallel_loop3A_55 : i32 to index
        %parallel_loop3A_57 = tpu.vector_load %arg8[%parallel_loop3A_56] {strides = array<i32>} : memref<4000xi32, #tpu.memory_space<vmem>>, vector<16xi32>,
        %parallel_loop3A_58 = arith.constant 1.000000e+00 : f32
        %parallel_loop3A_59 = vector.broadcast %parallel_loop3A_58 : f32 to vector<16xf32>
        %parallel_loop3A_60 = arith.divf %parallel_loop3A_59, %parallel_loop3A_53 : vector<16xf32>
        %parallel_loop3A_61 = arith.mulf %parallel_loop3A_60, %parallel_loop3A_60 : vector<16xf32>
        %parallel_loop3A_62 = arith.mulf %parallel_loop3A_61, %parallel_loop3A_61 : vector<16xf32>
        %parallel_loop3A_63 = arith.mulf %parallel_loop3A_62, %parallel_loop3A_61 : vector<16xf32>
        %parallel_loop3A_64 = arith.mulf %parallel_loop3A_63, %parallel_loop3A_63 : vector<16xf32>
        %parallel_loop3A_65 = arith.subf %parallel_loop3A_64, %parallel_loop3A_63 : vector<16xf32>
        %parallel_loop3A_66 = arith.constant 2.000000e+00 : f32
        %parallel_loop3A_67 = vector.broadcast %parallel_loop3A_66 : f32 to vector<16xf32>
        %parallel_loop3A_68 = arith.mulf %parallel_loop3A_65, %parallel_loop3A_67 : vector<16xf32>
        %parallel_loop3A_69 = arith.constant -0.00273972098 : f32
        %parallel_loop3A_70 = vector.broadcast %parallel_loop3A_69 : f32 to vector<16xf32>
        %parallel_loop3A_71 = arith.subf %parallel_loop3A_68, %parallel_loop3A_70 : vector<16xf32>
        tpu.vector_store_idx %arg9[%parallel_loop3A_57], %parallel_loop3A_71 {add = true} : memref<100352xf32, #tpu.memory_space<vmem>>[vector<16xi32>], vector<16xf32>,
      } {sc.loop_unroll_factor = 10 : i64, sc.parallel_access}
    }
    %scan3A_13 = arith.constant 25 : i32
    "tpu.region"() ({
      %run_scoped3A = tpu.sem_alloc : memref<!tpu.dma_semaphore, #tpu.memory_space<semaphore_mem>>
      %dma_start3A_14 = arith.constant 0 : i32
      %dma_start3A_15 = tpu.memref_slice %arg4[%add3A, %dma_start3A_14] : memref<32x100352xf32, #tpu.memory_space<hbm>> -> memref<1x100352xf32, #tpu.memory_space<hbm>>
      %dma_start3A_16 = tpu.memref_squeeze %dma_start3A_15 : memref<1x100352xf32, #tpu.memory_space<hbm>> -> memref<100352xf32, #tpu.memory_space<hbm>>
      %dma_start3A_17 = arith.constant 0 : i32
      %dma_start3A_18 = tpu.memref_slice %arg4[%add3A, %dma_start3A_17] : memref<32x100352xf32, #tpu.memory_space<hbm>> -> memref<1x100352xf32, #tpu.memory_space<hbm>>
      %dma_start3A_19 = tpu.memref_squeeze %dma_start3A_18 : memref<1x100352xf32, #tpu.memory_space<hbm>> -> memref<100352xf32, #tpu.memory_space<hbm>>
      tpu.enqueue_dma source(%arg9 : memref<100352xf32, #tpu.memory_space<vmem>>) target(%dma_start3A_19 : memref<100352xf32, #tpu.memory_space<hbm>>) target_semaphore(%run_scoped3A : memref<!tpu.dma_semaphore, #tpu.memory_space<semaphore_mem>>)
      %dma_wait3A = arith.constant 0 : i32
      %dma_wait3A_20 = tpu.memref_slice %arg4[%add3A, %dma_wait3A] : memref<32x100352xf32, #tpu.memory_space<hbm>> -> memref<1x100352xf32, #tpu.memory_space<hbm>>
      %dma_wait3A_21 = tpu.memref_squeeze %dma_wait3A_20 : memref<1x100352xf32, #tpu.memory_space<hbm>> -> memref<100352xf32, #tpu.memory_space<hbm>>
      %dma_wait3A_22 = arith.constant 0 : i32
      %dma_wait3A_23 = tpu.memref_slice %arg4[%add3A, %dma_wait3A_22] : memref<32x100352xf32, #tpu.memory_space<hbm>> -> memref<1x100352xf32, #tpu.memory_space<hbm>>
      %dma_wait3A_24 = tpu.memref_squeeze %dma_wait3A_23 : memref<1x100352xf32, #tpu.memory_space<hbm>> -> memref<100352xf32, #tpu.memory_space<hbm>>
      tpu.wait_dma2 semaphore(%run_scoped3A : memref<!tpu.dma_semaphore, #tpu.memory_space<semaphore_mem>>) src(%arg9 : memref<100352xf32, #tpu.memory_space<vmem>>) dst(%dma_wait3A_24 : memref<100352xf32, #tpu.memory_space<hbm>>)
      tpu.yield
    }) : () -> ()
    return
  }
}

module attributes {stable_mosaic.version = 14 : i64} {
  func.func @_tc_reduce_body(%arg0: memref<32x100352xf32, #tpu.memory_space<vmem>>, %arg1: memref<100352xf32, #tpu.memory_space<vmem>>) attributes {dimension_semantics = [], scalar_prefetch = 0 : i64, scratch_operands = 0 : i64, tpu.core_type = #tpu.core_type<tc>} {
    %get3A = arith.constant 0 : index
    %get3A_0 = arith.constant 0 : index
    %get3A_1 = vector.load %arg0[%get3A, %get3A_0] : memref<32x100352xf32, #tpu.memory_space<vmem>>, vector<32x100352xf32>
    %reduce_sum3A = arith.constant dense<0.000000e+00> : vector<100352xf32>
    %reduce_sum3A_2 = vector.multi_reduction <add>, %get3A_1, %reduce_sum3A [0] : vector<32x100352xf32> to vector<100352xf32>
    %swap3A = arith.constant 0 : index
    %swap3A_3 = vector.load %arg1[%swap3A] : memref<100352xf32, #tpu.memory_space<vmem>>, vector<100352xf32>
    tpu.vector_store %arg1[%swap3A], %reduce_sum3A_2 {strides = array<i32>} : memref<100352xf32, #tpu.memory_space<vmem>>, vector<100352xf32>,
    return
  }
}

</mosaic_0001>

<sc_bundles>
// kernel: kernel.4.cloned.1.call-start
scs
__scs_entry_jumppad:
0x0: {  	(pc) =	sbr.rel $0x88, $3  }
0x1: {  	(tag) =	ssettag $0x0;
	lr =	simm.s32 $0x1  }
0x2: {  	[smem:$0x3F9F] =	sst lr;
	_ =	strace $0xD0000000  }
0x3: {  	_ = 	snop  }
0x4: {  	_ = 	snop  }
0x5: {  	_ = 	snop  }
0x6: {  	_ = 	snop  }
0x7: {  	_ = 	snop  }
__scs_overlays_trampoline_lowered:
0x8: {  	[smem:$0x3FAE] =	sst s0  }
0x9: {  	[smem:$0x3FAF] =	sst s1  }
0xa: {  	[smem:$0x3FB0] =	sst s2  }
0xb: {  	[smem:$0x3FB1] =	sst s3  }
0xc: {  	[smem:$0x3FB2] =	sst s4  }
0xd: {  	[smem:$0x3FB3] =	sst s5  }
0xe: {  	[smem:$0x3FB4] =	sst s6  }
0xf: {  	[smem:$0x3FB5] =	sst s7  }
0x10: {  	[smem:$0x3FB6] =	sst s8  }
0x11: {  	[smem:$0x3FB7] =	sst s9;
	s0 =	simm.s32 @!p0 $0x0  }
0x12: {  	s1 =	sld [smem:$0x3F9D];
	s0 =	simm.s32 @p0 $0x1  }
0x13: {  	[smem:$0x3FB8] =	sst s0;
	s0 =	simm.s32 @!p1 $0x0  }
0x14: {  	s2 =	sld [smem:$0x3F9C];
	s0 =	simm.s32 @p1 $0x1  }
0x15: {  	[smem:$0x3FB9] =	sst s0;
	s0 =	simm.s32 @!p2 $0x0  }
0x16: {  	s3 =	sld [smem:$0x3FDB];
	s0 =	simm.s32 @p2 $0x1  }
0x17: {  	s4 =	simm.s32 $0x1BF5;
	[smem:$0x3FBB] =	sst s0  }
0x18: {  	s0 =	sld [smem:$0x3F9E];
	_ =	swait.ge [sflag:s4], $0x0  }
0x19: {  	s7 =	sld [smem:$0x3F9F]  }
0x1a: {  	s8 =	sadd.s32 $0xFFFFE003, lr  }
0x1b: {  	s9 =	sadd.s32 $0xFFFFFEF7, lr;
	s5 =	simm.s32 $0xFFFFFFFF;
	p2 =	slt.u32 s8, $0xFFFFF086  }
0x1c: {  	p1 =	slt.u32 s9, $0xF7A;
	s5 =	simm.s32 @!p2 $0x0  }
0x1d: {  	s5 =	simm.s32 @p1 $0x1;
	p0 =	seq.s32 s7, s2  }
0x1e: {  	s7 =	smul.u32 @!p0 $0xF7A, s2;
	p2 =	seq.s32 @!p0 s5, $0x0  }
0x1f: {  	s9 =	smul.u32 $0xF7A, s1;
	s8 =	simm.s32 @!p0 $0x1BF5;
	p2 =	por !p2, p0  }
0x20: {  	[sflag:s8] =	ssyncset.s32 @!p0 $0xFFFFF086;
	s6 =	sadd.s32 @!p0 s3, s7;
	s7 =	simm.s32 @!p0 $0x108  }
0x21: {  	s3 =	sadd.s32 s3, s9;
	s6 =	sadd.s32 @!p0 $0x88, s6;
	s7 =	simm.s32 @p2 $0x1082  }
0x22: {  	[simem:s7], [sflag:s8] =	dma.local @!p0 [hbm:s6], $0xF7A  }
0x23: {  	s9 =	sor.u32 $0xD0000000, s2;
	s6 =	simm.s32 $0x108;
	_ =	swait.ge @!p0 [sflag:s8], $0x0  }
0x24: {  	s3 =	sadd.s32 $0x88, s3;
	s6 =	simm.s32 @!p1 $0x1082;
	[sflag:s4] =	ssyncset.s32 $0xFFFFF086  }
0x25: {  	[simem:s6], [sflag:s4] =	dma.local [hbm:s3], $0xF7A  }
0x26: {  	[smem:$0x3F9F] =	sst s1;
	(tag) =	ssettag s2;
	_ =	strace s9  }
0x27: {  	s1 =	sld [smem:$0x3FAF]  }
0x28: {  	s2 =	sld [smem:$0x3FB0]  }
0x29: {  	s4 =	sld [smem:$0x3FB2]  }
0x2a: {  	p0 =	seq.s32 s5, $0x0;
	s5 =	sld [smem:$0x3FB3]  }
0x2b: {  	s6 =	sld [smem:$0x3FB4]  }
0x2c: {  	s7 =	sld [smem:$0x3FB5]  }
0x2d: {  	s3 =	simm.s32 $0x108;
	s8 =	sld [smem:$0x3FB6]  }
0x2e: {  	s3 =	simm.s32 @!p0 $0x1082;
	s9 =	sld [smem:$0x3FB7]  }
0x2f: {  	lr =	sadd.s32 s0, s3;
	s0 =	sld [smem:$0x3FAE]  }
0x30: {  	s3 =	sld [smem:$0x3FB1]  }
0x31: {  	[smem:$0x3FBA] =	sst s10  }
0x32: {  	s10 =	sld [smem:$0x3FB8];
	_ =	sdelay $0x3  }
0x33: {  	p0 =	seq.s32 s10, $0x1;
	s10 =	sld [smem:$0x3FBA];
	_ =	sdelay $0x3  }
0x34: {  	[smem:$0x3FBA] =	sst s10  }
0x35: {  	s10 =	sld [smem:$0x3FB9];
	_ =	sdelay $0x3  }
0x36: {  	p1 =	seq.s32 s10, $0x1;
	s10 =	sld [smem:$0x3FBA];
	_ =	sdelay $0x3  }
0x37: {  	[smem:$0x3FBA] =	sst s10  }
0x38: {  	s10 =	sld [smem:$0x3FBB]  }
0x39: {  	_ = 	snop;
	(pc) =	sbr.ind lr, $3  }
0x3a: {  	_ = 	snop  }
0x3b: {  	_ = 	snop  }
0x3c: {  	p2 =	seq.s32 s10, $0x1;
	s10 =	sld [smem:$0x3FBA]  }
0x3d: {  	_ =	shalt  }
0x3e: {  	_ =	shalt  }
0x3f: {  	_ =	shalt  }
0x40: {  	_ =	shalt  }
0x41: {  	_ =	shalt  }
0x42: {  	_ =	shalt  }
0x43: {  	_ =	shalt  }
0x44: {  	_ =	shalt  }
0x45: {  	_ =	shalt  }
0x46: {  	_ =	shalt  }
0x47: {  	_ =	shalt  }
0x48: {  	_ =	shalt  }
0x49: {  	_ =	shalt  }
0x4a: {  	_ =	shalt  }
0x4b: {  	_ =	shalt  }
0x4c: {  	_ =	shalt  }
0x4d: {  	_ =	shalt  }
0x4e: {  	_ =	shalt  }
0x4f: {  	_ =	shalt  }
0x50: {  	_ =	shalt  }
0x51: {  	_ =	shalt  }
0x52: {  	_ =	shalt  }
0x53: {  	_ =	shalt  }
0x54: {  	_ =	shalt  }
0x55: {  	_ =	shalt  }
0x56: {  	_ =	shalt  }
0x57: {  	_ =	shalt  }
0x58: {  	_ =	shalt  }
0x59: {  	_ =	shalt  }
0x5a: {  	_ =	shalt  }
0x5b: {  	_ =	shalt  }
0x5c: {  	_ =	shalt  }
0x5d: {  	_ =	shalt  }
0x5e: {  	_ =	shalt  }
0x5f: {  	_ =	shalt  }
0x60: {  	_ =	shalt  }
0x61: {  	_ =	shalt  }
0x62: {  	_ =	shalt  }
0x63: {  	_ =	shalt  }
0x64: {  	_ =	shalt  }
0x65: {  	_ =	shalt  }
0x66: {  	_ =	shalt  }
0x67: {  	_ =	shalt  }
0x68: {  	_ =	shalt  }
0x69: {  	_ =	shalt  }
0x6a: {  	_ =	shalt  }
0x6b: {  	_ =	shalt  }
0x6c: {  	_ =	shalt  }
0x6d: {  	_ =	shalt  }
0x6e: {  	_ =	shalt  }
0x6f: {  	_ =	shalt  }
0x70: {  	_ =	shalt  }
0x71: {  	_ =	shalt  }
0x72: {  	_ =	shalt  }
0x73: {  	_ =	shalt  }
0x74: {  	_ =	shalt  }
0x75: {  	_ =	shalt  }
0x76: {  	_ =	shalt  }
0x77: {  	_ =	shalt  }
0x78: {  	_ =	shalt  }
0x79: {  	_ =	shalt  }
0x7a: {  	_ =	shalt  }
0x7b: {  	_ =	shalt  }
0x7c: {  	_ =	shalt  }
0x7d: {  	_ =	shalt  }
0x7e: {  	_ =	shalt  }
0x7f: {  	_ =	shalt  }
0x80: {  	_ =	shalt  }
0x81: {  	_ =	shalt  }
0x82: {  	_ =	shalt  }
0x83: {  	_ =	shalt  }
0x84: {  	_ =	shalt  }
0x85: {  	_ =	shalt  }
0x86: {  	_ =	shalt  }
0x87: {  	_ =	shalt  }
.Lfunc_end0:
.L_simem_size_0:
called_computation_lowered:
.L_overlay_start_0:
0x88: {  	s2 =	sld [smem:$0x3FD9]  }
0x89: {  	s3 =	sld [smem:$0x3FFE];
	_ =	sdelay $0x1  }
0x8a: {  	s1 =	srdreg.scid  }
0x8b: {  	s0 =	sand.u32 $0x1, s1  }
0x8c: {  	s17 =	sshll.u32 s0, $0xA;
	s2 =	sadd.s32 s3, s2  }
0x8d: {  	s2 =	sadd.s32 s2, s17  }
0x8e: {  	[smem:$0x3FC6] =	sst s2  }
0x8f: {  	_ = 	snop  }
0x90: {  	s2 =	sld [smem:$0x3FC9];
	(tm) =	ssettm $0x1  }
0x91: {  	s18 =	sld [smem:$0x3FFB];
	_ =	sdelay $0x3  }
0x92: {  	_ =	strace s18  }
0x93: {  	s3 =	sld [smem:$0x3FFC];
	_ =	sdelay $0x3  }
0x94: {  	_ =	strace s3  }
0x95: {  	s3 =	sld [smem:$0x3FFD];
	_ =	sdelay $0x3  }
0x96: {  	_ =	strace s3  }
0x97: {  	_ =	strace $0x8FFFFFFF  }
0x98: {  	s19 =	sld [smem:$0x3FDB];
	_ =	sdelay $0x1  }
0x99: {  	s4 =	simm.s32 $_scs_section_size  }
0x9a: {  	s5 =	simm.s32 $_size__tile_overlayer_lowered;
	s6 =	simm.s32 $_tile_overlayer_lowered  }
0x9b: {  	s22 =	simm.s32 $0x1BFF;
	s21 =	sshll.u32 s6, $0x1;
	s3 =	sadd.s32 s4, s19  }
0x9c: {  	s7 =	simm.s32 $0x0;
	s20 =	sshll.u32 s5, $0x1;
	s5 =	sadd.s32 s21, s3  }
0x9d: {  	[timem:s7], [sflag:s22] =	dma.local [hbm:s5], s20  }
0x9e: {  	_ =	swait.ge [sflag:s22], s20  }
0x9f: {  	s4 =	ssub.s32 $0x0, s20;
	[sflag:s22] =	ssyncset.done $0x0  }
0xa0: {  	[sflag:s22] =	ssyncadd.s32 s4;
	_ =	sdelay $0x1  }
0xa1: {  	s23 =	simm.s32 $0x1B8B  }
0xa2: {  	_ =	swait.ge [sflag:s23], $0x1  }
0xa3: {  	[sflag:s23] =	ssyncset.done $0x0  }
0xa4: {  	s25 =	simm.s32 $0x1B8E;
	s24 =	sld [smem:$0x3FFE];
	[sflag:s23] =	ssyncadd.s32 $0xFFFFFFFF  }
0xa5: {  	s26 =	simm.s32 $execute0_lowered;
	[smem:$0x3FD2] =	sst s25  }
0xa6: {  	s5 =	sshll.u32 s26, $0x1;
	_ =	strace $0x80000046;
	[dreg:$0x1] =	wrdreg $0xFFFFFFFF  }
0xa7: {  	s28 =	simm.s32 $_size_execute0_lowered;
	s3 =	sadd.s32 s3, s5;
	[dreg:$0x0] =	wrdreg $0x0  }
0xa8: {  	s5 =	sshll.u32 s28, $0x1;
	[dreg:$0x2] =	wrdreg s3  }
0xa9: {  	[dreg:$0x3] =	wrdreg s5  }
0xaa: {  	[dreg:$0x4] =	wrdreg $0xC0  }
0xab: {  	_ =	task [dreg:s7], $0x5FFFF  }
0xac: {  	[dreg:$0x1] =	wrdreg $0xFFFFFFFF  }
0xad: {  	[dreg:$0x0] =	wrdreg $0x60  }
0xae: {  	[dreg:$0x2] =	wrdreg s2  }
0xaf: {  	[dreg:$0x3] =	wrdreg s24  }
0xb0: {  	[dreg:$0x4] =	wrdreg $0x9  }
0xb1: {  	_ =	task.clear_ibuf [dreg:s7], $0x5FFFF;
	_ =	strace $0x90000046  }
0xb2: {  	s29 =	simm.s32 $0x9;
	_ =	strace $0x80000048  }
0xb3: {  	_ =	swait.ge [sflag:s29], $0x1  }
0xb4: {  	[sflag:s29] =	ssyncadd.s32 $0xFFFFFFFF  }
0xb5: {  	_ =	strace $0x90000048  }
0xb6: {  	_ =	sfence  }
0xb7: {  	s30 =	sld [smem:$0x0];
	_ =	sdelay $0x2  }
0xb8: {  	s31 =	sshll.u32 s1, $0xD;
	s1 =	sshrl.u32 s1, $0x2  }
0xb9: {  	s3 =	sand.u32 $0x4000, s31;
	s1 =	sadd.s32 s1, s30  }
0xba: {  	s0 =	sor.u32 s3, s0;
	s1 =	sshll.u32 s1, $0x11  }
0xbb: {  	s0 =	sor.u32 s1, s0  }
0xbc: {  	s0 =	sadd.s32 $0x8F2B, s0  }
0xbd: {  	[sflag:s0] =	ssyncadd.remote.s32 $0x1  }
0xbe: {  	_ =	sfence.sel $0xFFFF  }
0xbf: {  	[dreg:$0x0] =	wrdreg $0xFFFFFFFF;
	(pc) =	sbr.abs _section_cstart, $3  }
0xc0: {  	[dreg:$0x1] =	wrdreg $0xFFFFFFFF  }
0xc1: {  	_ =	task.clear_ibuf [dreg:s7], $0x2FFFF;
	_ =	strace $0x9FFFFFFF  }
0xc2: {  	(tm) =	ssettm $0x7FFFFFFF  }
0xc3: {  	_ =	shalt  }
tec
execute0_lowered:
.L_overlay_start_1:
0x0: {  	(tag) =	ssettag $0x1  }
0x1: {  	s2 =	rddreg [dreg:$0x0]  }
0x2: {  	s6 =	rddreg [dreg:$0x1]  }
0x3: {  	s3 =	srdreg.scid;
	s1 =	stileid.u32  }
0x4: {  	s0 =	rddreg [dreg:$0x2];
	s11 =	simm.s32 $0x1;
	s12 =	simm.s32 $0x3  }
0x5: {  	s13 =	simm.s32 $0x1000;
	s14 =	simm.s32 $0x3000;
	s15 =	simm.s32 $0x4000  }
0x6: {  	s16 =	simm.s32 $0x2;
	s17 =	simm.s32 $0x4;
	s18 =	simm.s32 $0x80  }
0x7: {  	s19 =	simm.s32 $0x400;
	s20 =	simm.s32 $0x5;
	s21 =	simm.s32 $0x0  }
0x8: {  	s7 =	sand.u32 $0x1, s3;
	s4 =	sshll.u32 s1, $0x1;
	s3 =	simm.s32 $0x0  }
0x9: {  	s5 =	sshrl.u32 s1, $0x2;
	s4 =	sor.u32 s7, s4;
	[smem:$0x7FF] =	sst s3  }
0xa: {  	s8 =	smul.u32 $0xC4000, s5;
	s5 =	sadd.s32 $0x600, s6;
	s30 =	sshll.u32 s4, $0x7  }
0xb: {  	s7 =	ssub.s32 $0x2, s7;
	s4 =	smul.u32 $0x30D40, s4;
	s9 =	sand.u32 $0x380, s30  }
0xc: {  	_ =	strace $0x80000047;
	s31 =	sshrl.u32 s7, $0x1;
	s8 =	sor.u32 s8, s9  }
0xd: {  	s10 =	sshrl.u32 s4, $0x3;
	s9 =	ssub.s32 s7, s31;
	s8 =	sshrl.u32 s8, $0x3  }
0xe: {  	s7 =	sadd.s32 s5, s10;
	s9 =	smax.u32 s9, $0x1;
	s8 =	sadd.s32 s8, s6  }
0xf: {  	v0 =	vimm.f32 $0.0e+00;
	s6 =	sadd.s32 s2, s10;
	s10 =	simm.s32 $0x2000;
	s8 =	sadd.s32 $0xC3C00, s8  }
.LBB2_1:
0x10: {  	[tilespmem:s3], [sflag:$0x1] =	stream.linear.gather [hbm4b:s6+s3], $0xFA0, $0x38;
	[tilespmem:$0x1C800] =	vst v63  }
0x11: {  	s23 =	simm.s32 $0x0;
	s22 =	simm.s32 $0x200  }
0x12: {  	[tilespmem:s10], [sflag:$0x3] =	stream.linear.gather [hbm4b:s7+s3], $0xFA0, $0x38;
	[tilespmem:$0x1C800] =	vst v63  }
.LBB2_2:
0x13: {  	p0 =	sne.s32 s22, $0x61E00;
	[tilespmem:s23+$0x4070] =	vst v0  }
0x14: {  	[tilespmem:s23+$0x4000] =	vst v0  }
0x15: {  	[tilespmem:s23+$0x4010] =	vst v0  }
.Ltmp0:
0x16: {  	[tilespmem:s23+$0x4020] =	vst v0;
	(pc) =	sbr.rel @p0 .LBB2_2-.Ltmp0, $4  }
0x17: {  	[tilespmem:s23+$0x4030] =	vst v0  }
0x18: {  	[tilespmem:s23+$0x4040] =	vst v0  }
0x19: {  	[tilespmem:s23+$0x4050] =	vst v0  }
0x1a: {  	[tilespmem:s23+$0x4060] =	vst v0;
	s23 =	sshra.s32 s22, $0x2;
	s22 =	sadd.s32 $0x200, s22  }
0x1b: {  	[tilespmem:s23+$0x4070] =	vst v0  }
0x1c: {  	[tilespmem:s23+$0x4000] =	vst v0  }
0x1d: {  	[tilespmem:s23+$0x4010] =	vst v0  }
0x1e: {  	[tilespmem:s23+$0x4020] =	vst v0  }
0x1f: {  	[tilespmem:s23+$0x4030] =	vst v0  }
0x20: {  	[tilespmem:s23+$0x4040] =	vst v0  }
0x21: {  	[tilespmem:s23+$0x4050] =	vst v0  }
0x22: {  	s22 =	simm.s32 $0x0;
	[tilespmem:s23+$0x4060] =	vst v0;
	s23 =	simm.s32 $0x0  }
.LBB2_4:
0x23: {  	s24 =	smul.u32 $0x1F40, s23;
	_ =	swait.ge [sflag:s11], $0xFA0  }
0x24: {  	[sflag:s11] =	ssyncset.done $0x0  }
0x25: {  	s24 =	sadd.s32 s4, s24;
	[sflag:s11] =	ssyncadd.s32 $0xFFFFF060  }
0x26: {  	_ =	swait.ge [sflag:s12], $0xFA0;
	s25 =	sshrl.u32 s24, $0x3  }
0x27: {  	[sflag:s12] =	ssyncset.done $0x0;
	s25 =	sadd.s32 $0x1F4, s25  }
0x28: {  	[sflag:s12] =	ssyncadd.s32 $0xFFFFF060;
	s26 =	sadd.s32 s2, s25  }
0x29: {  	[tilespmem:s13], [sflag:$0x2] =	stream.linear.gather [hbm4b:s26+s22], $0xFA0, $0x38;
	[tilespmem:$0x1C800] =	vst v63  }
0x2a: {  	s30 =	simm.s32 $0x50;
	s25 =	sadd.s32 s5, s25  }
0x2b: {  	[tilespmem:s14], [sflag:$0x4] =	stream.linear.gather [hbm4b:s25+s22], $0xFA0, $0x38;
	[tilespmem:$0x1C800] =	vst v63  }
0x2c: {  	s28 =	sand.u32 $0xFE0, s22;
	v1 =	vld [tilespmem:s30+$0x40]  }
0x2d: {  	v2 =	vld [tilespmem:s28+$0x80]  }
0x2e: {  	v3 =	vld [tilespmem:s30+$0xFFFFFFC0]  }
0x2f: {  	v4 =	vld [tilespmem:s30+$0xFFFFFFD0]  }
0x30: {  	v5 =	vld [tilespmem:s30+$0xFFFFFFE0]  }
0x31: {  	(erf) = vrcp.f32 v1  }
0x32: {  	(erf) = vrcp.f32 v2  }
0x33: {  	v6 =	vld [tilespmem:s30+$0xFFFFFFF0];
	(erf) = vrcp.f32 v3  }
0x34: {  	v1 =	vld [tilespmem:s30+$0x0];
	(erf) = vrcp.f32 v4  }
0x35: {  	v2 =	vld [tilespmem:s30+$0x10];
	(erf) = vrcp.f32 v5  }
0x36: {  	v3 =	vld [tilespmem:s30+$0x20]  }
0x37: {  	v4 =	vld [tilespmem:s30+$0xFFFFFFB0]  }
0x38: {  	(erf) = vrcp.f32 v6  }
0x39: {  	(erf) = vrcp.f32 v1  }
0x3a: {  	(erf) = vrcp.f32 v2;
	v1 =	vpop (erf)  }
0x3b: {  	(erf) = vrcp.f32 v3;
	v1 =	vmul.f32 v1, v1;
	v2 =	vpop (erf)  }
0x3c: {  	(erf) = vrcp.f32 v4;
	v2 =	vmul.f32 v2, v2;
	v3 =	vpop (erf)  }
0x3d: {  	v3 =	vmul.f32 v3, v3;
	v4 =	vmul.f32 v1, v1;
	v5 =	vpop (erf)  }
0x3e: {  	v5 =	vmul.f32 v5, v5;
	v6 =	vmul.f32 v2, v2;
	v7 =	vpop (erf)  }
0x3f: {  	v7 =	vmul.f32 v7, v7;
	v1 =	vmul.f32 v4, v1  }
0x40: {  	v14 =	vmul.f32 v3, v3;
	v2 =	vmul.f32 v6, v2  }
0x41: {  	v17 =	vmul.f32 v5, v5;
	v8 =	vmul.f32 v1, v1  }
0x42: {  	s31 =	simm.s32 $0x2050;
	v4 =	vpop (erf);
	v19 =	vmul.f32 v7, v7;
	v3 =	vmul.f32 v14, v3  }
0x43: {  	v10 =	vld [tilespmem:s31+$0x40];
	v4 =	vmul.f32 v4, v4;
	v6 =	vpop (erf);
	v11 =	vmul.f32 v2, v2  }
0x44: {  	v13 =	vld [tilespmem:s28+$0x2080];
	v5 =	vmul.f32 v17, v5;
	v6 =	vmul.f32 v6, v6;
	v9 =	vpop (erf)  }
0x45: {  	v16 =	vld [tilespmem:s31+$0xFFFFFFB0];
	v7 =	vmul.f32 v19, v7;
	v9 =	vmul.f32 v9, v9;
	v12 =	vpop (erf)  }
0x46: {  	v18 =	vld [tilespmem:s31+$0xFFFFFFC0];
	v20 =	vmul.f32 v4, v4;
	v12 =	vmul.f32 v12, v12;
	v15 =	vpop (erf)  }
0x47: {  	s29 =	simm.s32 $0xF0;
	s25 =	simm.s32 $0xA0;
	v21 =	vld [tilespmem:s31+$0xFFFFFFD0];
	v1 =	vsub.f32 v8, v1;
	v23 =	vmul.f32 v6, v6;
	v15 =	vmul.f32 v15, v15  }
0x48: {  	s28 =	sand.u32 $0xFE0, s25;
	v2 =	vsub.f32 v11, v2;
	v11 =	vld [tilespmem:s29+$0x40];
	v25 =	vmul.f32 v9, v9;
	v4 =	vmul.f32 v20, v4  }
0x49: {  	v14 =	vld [tilespmem:s28+$0x80];
	v20 =	vmul.f32 v3, v3;
	v22 =	vmul.f32 v15, v15  }
0x4a: {  	v17 =	vld [tilespmem:s29+$0xFFFFFFC0];
	v1 =	vadd.f32 v1, v1;
	v26 =	vmul.f32 v12, v12;
	v6 =	vmul.f32 v23, v6  }
0x4b: {  	v2 =	vadd.f32 v2, v2;
	v23 =	vmul.f32 v5, v5;
	v15 =	vmul.f32 v22, v15;
	v22 =	vld [tilespmem:s29+$0xFFFFFFD0]  }
0x4c: {  	v1 =	vadd.f32 $2.739720980e-03, v1;
	v9 =	vmul.f32 v25, v9;
	v12 =	vmul.f32 v26, v12;
	v26 =	vld [tilespmem:s29+$0xFFFFFFE0]  }
0x4d: {  	v27 =	vld [tilespmem:s29+$0xFFFFFFF0];
	v2 =	vadd.f32 $2.739720980e-03, v2;
	v25 =	vmul.f32 v7, v7;
	(erf) = vrcp.f32 v11  }
0x4e: {  	v3 =	vsub.f32 v20, v3;
	v20 =	vld [tilespmem:s29+$0x0];
	v11 =	vmul.f32 v6, v6;
	(erf) = vrcp.f32 v14  }
0x4f: {  	v5 =	vsub.f32 v23, v5;
	v23 =	vld [tilespmem:s29+$0x10];
	v14 =	vmul.f32 v9, v9;
	(erf) = vrcp.f32 v17  }
0x50: {  	v7 =	vsub.f32 v25, v7;
	v25 =	vld [tilespmem:s29+$0x20];
	v19 =	vmul.f32 v15, v15;
	(erf) = vrcp.f32 v22  }
0x51: {  	v3 =	vadd.f32 v3, v3;
	v6 =	vsub.f32 v11, v6;
	v11 =	vld [tilespmem:s29+$0xFFFFFFB0];
	(erf) = vrcp.f32 v26  }
0x52: {  	v24 =	vld [tilespmem:s31+$0xFFFFFFE0];
	v17 =	vmul.f32 v12, v12;
	v15 =	vsub.f32 v19, v15;
	(erf) = vrcp.f32 v27  }
0x53: {  	v8 =	vld [tilespmem:s31+$0xFFFFFFF0];
	v5 =	vadd.f32 v5, v5;
	v19 =	vmul.f32 v4, v4;
	(erf) = vrcp.f32 v20  }
0x54: {  	[tilespmem:v10+s15+$0x0] =	vst.idx.add.f32.msk $0xffff, v1;
	v9 =	vsub.f32 v14, v9;
	v10 =	vadd.f32 v15, v15;
	(erf) = vrcp.f32 v23  }
0x55: {  	v1 =	vld [tilespmem:s31+$0x10];
	v7 =	vadd.f32 v7, v7;
	v4 =	vsub.f32 v19, v4;
	(erf) = vrcp.f32 v25  }
0x56: {  	v14 =	vld [tilespmem:s31+$0x0];
	v3 =	vadd.f32 $2.739720980e-03, v3;
	v10 =	vadd.f32 $2.739720980e-03, v10;
	(erf) = vrcp.f32 v11;
	v11 =	vpop (erf)  }
0x57: {  	[tilespmem:v13+s15+$0x0] =	vst.idx.add.f32.msk $0xffff, v2;
	v5 =	vadd.f32 $2.739720980e-03, v5;
	v4 =	vadd.f32 v4, v4;
	v13 =	vmul.f32 v11, v11  }
0x58: {  	v12 =	vsub.f32 v17, v12;
	v6 =	vadd.f32 v6, v6;
	[tilespmem:v18+s15+$0x0] =	vst.idx.add.f32.msk $0xffff, v3  }
0x59: {  	v7 =	vadd.f32 $2.739720980e-03, v7;
	[tilespmem:v21+s15+$0x0] =	vst.idx.add.f32.msk $0xffff, v5;
	v3 =	vadd.f32 $2.739720980e-03, v4;
	v11 =	vpop (erf);
	v4 =	vmul.f32 v13, v13  }
0x5a: {  	v9 =	vadd.f32 v9, v9;
	[tilespmem:v16+s15+$0x0] =	vst.idx.add.f32.msk $0xffff, v10;
	v16 =	vmul.f32 v11, v11;
	v10 =	vpop (erf)  }
0x5b: {  	v5 =	vadd.f32 $2.739720980e-03, v6;
	[tilespmem:v24+s15+$0x0] =	vst.idx.add.f32.msk $0xffff, v7;
	v10 =	vmul.f32 v10, v10;
	v11 =	vpop (erf);
	v7 =	vmul.f32 v4, v13  }
0x5c: {  	v2 =	vld [tilespmem:s31+$0x20];
	v15 =	vadd.f32 v12, v12;
	v11 =	vmul.f32 v11, v11;
	v6 =	vmul.f32 v16, v16;
	v12 =	vpop (erf)  }
0x5d: {  	[tilespmem:v8+s15+$0x0] =	vst.idx.add.f32.msk $0xffff, v3;
	v12 =	vmul.f32 v12, v12;
	v4 =	vpop (erf);
	v8 =	vmul.f32 v7, v7  }
0x5e: {  	s26 =	simm.s32 $0x20F0;
	[tilespmem:v14+s15+$0x0] =	vst.idx.add.f32.msk $0xffff, v5;
	v6 =	vmul.f32 v6, v16;
	v13 =	vmul.f32 v4, v4;
	v4 =	vpop (erf)  }
0x5f: {  	v19 =	vmul.f32 v10, v10;
	v16 =	vld [tilespmem:s26+$0x40];
	v21 =	vmul.f32 v11, v11;
	v5 =	vpop (erf)  }
0x60: {  	v17 =	vld [tilespmem:s28+$0x2080];
	v3 =	vadd.f32 $2.739720980e-03, v9;
	v20 =	vmul.f32 v6, v6;
	v14 =	vmul.f32 v4, v4;
	v9 =	vpop (erf)  }
0x61: {  	v4 =	vadd.f32 $2.739720980e-03, v15;
	v7 =	vsub.f32 v8, v7;
	v15 =	vmul.f32 v5, v5;
	v5 =	vld [tilespmem:s26+$0xFFFFFFB0];
	v8 =	vpop (erf)  }
0x62: {  	v18 =	vmul.f32 v9, v9;
	v9 =	vld [tilespmem:s26+$0xFFFFFFC0];
	v22 =	vmul.f32 v8, v8;
	v8 =	vsub.f32 v20, v6  }
0x63: {  	v23 =	vmul.f32 v12, v12;
	v29 =	vadd.f32 v7, v7;
	v7 =	vld [tilespmem:s26+$0xFFFFFFE0];
	v25 =	vmul.f32 v14, v14  }
0x64: {  	v6 =	vld [tilespmem:s26+$0xFFFFFFD0];
	v20 =	vmul.f32 v13, v13;
	v27 =	vmul.f32 v22, v22;
	v28 =	vadd.f32 v8, v8  }
0x65: {  	s29 =	simm.s32 $0x190;
	s28 =	simm.s32 $0xA;
	v26 =	vmul.f32 v15, v15;
	v24 =	vmul.f32 v18, v18;
	v29 =	vadd.f32 $2.739720980e-03, v29;
	v8 =	vld [tilespmem:s26+$0xFFFFFFF0]  }
.LBB2_5:
0x66: {  	v30 =	vld [tilespmem:s29+$0x40];
	v22 =	vmul.f32 v27, v22;
	v10 =	vmul.f32 v19, v10;
	v19 =	vadd.f32 $2.739720980e-03, v28  }
0x67: {  	v11 =	vmul.f32 v21, v11;
	v12 =	vmul.f32 v23, v12;
	s25 =	sadd.s32 $0xA0, s25;
	[tilespmem:v16+s15+$0x0] =	vst.idx.add.f32.msk $0xffff, v29  }
0x68: {  	s28 =	sadd.s32 $0xA, s28;
	v13 =	vmul.f32 v20, v13;
	v14 =	vmul.f32 v25, v14;
	s30 =	sand.u32 $0xFE0, s25;
	[tilespmem:v17+s15+$0x0] =	vst.idx.add.f32.msk $0xffff, v19  }
0x69: {  	p0 =	slt.u32 s28, $0xF0;
	v15 =	vmul.f32 v26, v15;
	v17 =	vmul.f32 v24, v18;
	v16 =	vld [tilespmem:s30+$0x80]  }
0x6a: {  	v19 =	vmul.f32 v22, v22;
	v20 =	vmul.f32 v10, v10;
	v18 =	vld [tilespmem:s29+$0xFFFFFFC0]  }
0x6b: {  	v23 =	vmul.f32 v11, v11;
	v24 =	vmul.f32 v12, v12;
	v21 =	vld [tilespmem:s29+$0xFFFFFFD0]  }
0x6c: {  	v26 =	vmul.f32 v14, v14;
	v19 =	vsub.f32 v19, v22;
	v22 =	vmul.f32 v13, v13;
	v25 =	vld [tilespmem:s29+$0xFFFFFFE0]  }
0x6d: {  	v10 =	vsub.f32 v20, v10;
	v20 =	vmul.f32 v15, v15;
	v27 =	vld [tilespmem:s29+$0xFFFFFFF0];
	(erf) = vrcp.f32 v30  }
0x6e: {  	v11 =	vsub.f32 v23, v11;
	v28 =	vld [tilespmem:s29+$0x0];
	(erf) = vrcp.f32 v16;
	v16 =	vmul.f32 v17, v17  }
0x6f: {  	v12 =	vsub.f32 v24, v12;
	v13 =	vsub.f32 v22, v13;
	v23 =	vld [tilespmem:s29+$0x10];
	(erf) = vrcp.f32 v18  }
0x70: {  	v14 =	vsub.f32 v26, v14;
	v15 =	vsub.f32 v20, v15;
	v18 =	vld [tilespmem:s29+$0x20];
	(erf) = vrcp.f32 v21  }
0x71: {  	v19 =	vadd.f32 v19, v19;
	v16 =	vsub.f32 v16, v17;
	v20 =	vld [tilespmem:s29+$0xFFFFFFB0];
	(erf) = vrcp.f32 v25  }
0x72: {  	v10 =	vadd.f32 v10, v10;
	v11 =	vadd.f32 v11, v11;
	(erf) = vrcp.f32 v27;
	v17 =	vld [tilespmem:s26+$0x0]  }
0x73: {  	v12 =	vadd.f32 v12, v12;
	v13 =	vadd.f32 v13, v13;
	(erf) = vrcp.f32 v28;
	v21 =	vld [tilespmem:s26+$0x10]  }
0x74: {  	v14 =	vadd.f32 v14, v14;
	v15 =	vadd.f32 v15, v15;
	(erf) = vrcp.f32 v23;
	v22 =	vld [tilespmem:s26+$0x20]  }
0x75: {  	v16 =	vadd.f32 v16, v16;
	(erf) = vrcp.f32 v18;
	v18 =	vadd.f32 $2.739720980e-03, v19;
	[tilespmem:v1+s15+$0x0] =	vst.idx.add.f32.msk $0xffff, v3  }
0x76: {  	v11 =	vadd.f32 $2.739720980e-03, v11;
	v3 =	vadd.f32 $2.739720980e-03, v10;
	(erf) = vrcp.f32 v20;
	v1 =	vpop (erf);
	[tilespmem:v2+s15+$0x0] =	vst.idx.add.f32.msk $0xffff, v4  }
0x77: {  	v13 =	vadd.f32 $2.739720980e-03, v13;
	v2 =	vmul.f32 v1, v1;
	v1 =	vpop (erf);
	[tilespmem:v5+s15+$0x0] =	vst.idx.add.f32.msk $0xffff, v18;
	v5 =	vadd.f32 $2.739720980e-03, v12  }
0x78: {  	v18 =	vmul.f32 v1, v1;
	v1 =	vpop (erf);
	[tilespmem:v9+s15+$0x0] =	vst.idx.add.f32.msk $0xffff, v3;
	v9 =	vadd.f32 $2.739720980e-03, v14;
	v3 =	vadd.f32 $2.739720980e-03, v15  }
0x79: {  	v4 =	vadd.f32 $2.739720980e-03, v16;
	v10 =	vmul.f32 v1, v1;
	v14 =	vmul.f32 v2, v2;
	v1 =	vpop (erf);
	[tilespmem:v6+s15+$0x0] =	vst.idx.add.f32.msk $0xffff, v11  }
0x7a: {  	v11 =	vmul.f32 v1, v1;
	v6 =	vmul.f32 v18, v18;
	v12 =	vpop (erf);
	[tilespmem:v7+s15+$0x0] =	vst.idx.add.f32.msk $0xffff, v5;
	v1 =	vmov v21  }
0x7b: {  	v12 =	vmul.f32 v12, v12;
	v7 =	vmul.f32 v14, v2;
	v5 =	vpop (erf);
	[tilespmem:v8+s15+$0x0] =	vst.idx.add.f32.msk $0xffff, v13;
	v2 =	vmov v22  }
0x7c: {  	s26 =	sadd.s32 $0xA0, s26;
	v13 =	vmul.f32 v5, v5;
	v6 =	vmul.f32 v6, v18;
	v5 =	vpop (erf);
	[tilespmem:v17+s15+$0x0] =	vst.idx.add.f32.msk $0xffff, v9  }
0x7d: {  	v14 =	vmul.f32 v5, v5;
	v16 =	vld [tilespmem:s26+$0x40];
	v21 =	vmul.f32 v7, v7;
	v5 =	vpop (erf)  }
0x7e: {  	v15 =	vmul.f32 v5, v5;
	v17 =	vld [tilespmem:s30+$0x2080];
	v20 =	vmul.f32 v6, v6;
	v9 =	vpop (erf)  }
.Ltmp1:
0x7f: {  	v19 =	vmul.f32 v10, v10;
	v5 =	vld [tilespmem:s26+$0xFFFFFFB0];
	v18 =	vmul.f32 v9, v9;
	v7 =	vsub.f32 v21, v7;
	v8 =	vpop (erf);
	(pc) =	sbr.rel @p0 .LBB2_5-.Ltmp1, $4  }
0x80: {  	v21 =	vmul.f32 v11, v11;
	v22 =	vmul.f32 v8, v8;
	v9 =	vld [tilespmem:s26+$0xFFFFFFC0];
	v8 =	vsub.f32 v20, v6  }
0x81: {  	v23 =	vmul.f32 v12, v12;
	v20 =	vmul.f32 v13, v13;
	v6 =	vld [tilespmem:s26+$0xFFFFFFD0];
	v29 =	vadd.f32 v7, v7  }
0x82: {  	v25 =	vmul.f32 v14, v14;
	v27 =	vmul.f32 v22, v22;
	v7 =	vld [tilespmem:s26+$0xFFFFFFE0];
	v28 =	vadd.f32 v8, v8  }
0x83: {  	s29 =	sadd.s32 $0xA0, s29;
	v26 =	vmul.f32 v15, v15;
	v24 =	vmul.f32 v18, v18;
	v8 =	vld [tilespmem:s26+$0xFFFFFFF0];
	v29 =	vadd.f32 $2.739720980e-03, v29  }
0x84: {  	_ = 	snop  }
0x85: {  	v22 =	vmul.f32 v27, v22  }
0x86: {  	v10 =	vmul.f32 v19, v10;
	v11 =	vmul.f32 v21, v11  }
0x87: {  	v12 =	vmul.f32 v23, v12;
	v19 =	vadd.f32 $2.739720980e-03, v28;
	v13 =	vmul.f32 v20, v13  }
0x88: {  	v14 =	vmul.f32 v25, v14;
	[tilespmem:v16+s15+$0x0] =	vst.idx.add.f32.msk $0xffff, v29;
	v15 =	vmul.f32 v26, v15  }
0x89: {  	v16 =	vmul.f32 v22, v22;
	[tilespmem:v17+s15+$0x0] =	vst.idx.add.f32.msk $0xffff, v19;
	v17 =	vmul.f32 v24, v18  }
0x8a: {  	v18 =	vmul.f32 v10, v10;
	v19 =	vmul.f32 v11, v11  }
0x8b: {  	[tilespmem:v1+s15+$0x0] =	vst.idx.add.f32.msk $0xffff, v3;
	v20 =	vmul.f32 v12, v12;
	v21 =	vmul.f32 v13, v13  }
0x8c: {  	v16 =	vsub.f32 v16, v22;
	v22 =	vmul.f32 v14, v14;
	v10 =	vsub.f32 v18, v10  }
0x8d: {  	v18 =	vmul.f32 v15, v15;
	v11 =	vsub.f32 v19, v11;
	v12 =	vsub.f32 v20, v12  }
0x8e: {  	v19 =	vmul.f32 v17, v17;
	v13 =	vsub.f32 v21, v13;
	v14 =	vsub.f32 v22, v14  }
0x8f: {  	[tilespmem:v2+s15+$0x0] =	vst.idx.add.f32.msk $0xffff, v4;
	v15 =	vsub.f32 v18, v15;
	v16 =	vadd.f32 v16, v16  }
0x90: {  	v20 =	vld [tilespmem:s26+$0x0];
	v17 =	vsub.f32 v19, v17;
	v10 =	vadd.f32 v10, v10  }
0x91: {  	v18 =	vld [tilespmem:s26+$0x10];
	v11 =	vadd.f32 v11, v11;
	v16 =	vadd.f32 $2.739720980e-03, v16  }
0x92: {  	v19 =	vld [tilespmem:s26+$0x20];
	v1 =	vadd.f32 v12, v12;
	v3 =	vadd.f32 $2.739720980e-03, v10  }
0x93: {  	v2 =	vadd.f32 v13, v13;
	v4 =	vadd.f32 $2.739720980e-03, v11;
	[tilespmem:v5+s15+$0x0] =	vst.idx.add.f32.msk $0xffff, v16  }
0x94: {  	v1 =	vadd.f32 $2.739720980e-03, v1;
	v5 =	vadd.f32 v14, v14;
	[tilespmem:v9+s15+$0x0] =	vst.idx.add.f32.msk $0xffff, v3  }
0x95: {  	v2 =	vadd.f32 $2.739720980e-03, v2;
	v3 =	vadd.f32 v15, v15;
	[tilespmem:v6+s15+$0x0] =	vst.idx.add.f32.msk $0xffff, v4  }
0x96: {  	v4 =	vadd.f32 v17, v17;
	[tilespmem:v7+s15+$0x0] =	vst.idx.add.f32.msk $0xffff, v1;
	v5 =	vadd.f32 $2.739720980e-03, v5  }
0x97: {  	p0 =	seq.s32 s23, $0x18;
	[tilespmem:v8+s15+$0x0] =	vst.idx.add.f32.msk $0xffff, v2;
	v1 =	vadd.f32 $2.739720980e-03, v3  }
0x98: {  	s24 =	sshrl.u32 @!p0 s24, $0x3;
	v2 =	vadd.f32 $2.739720980e-03, v4;
	[tilespmem:v20+s15+$0x0] =	vst.idx.add.f32.msk $0xffff, v5  }
0x99: {  	s24 =	sadd.s32 @!p0 $0x3E8, s24;
	[tilespmem:v18+s15+$0x0] =	vst.idx.add.f32.msk $0xffff, v1  }
0x9a: {  	s25 =	sadd.s32 @!p0 s2, s24;
	s26 =	simm.s32 @!p0 $0x0;
	[tilespmem:v19+s15+$0x0] =	vst.idx.add.f32.msk $0xffff, v2  }
0x9b: {  	[tilespmem:s26], [sflag:$0x1] =	stream.linear.gather @!p0 [hbm4b:s25+s26], $0xFA0, $0x38;
	[tilespmem:$0x1C800] =	vst v63  }
0x9c: {  	s24 =	sadd.s32 @!p0 s5, s24;
	s25 =	simm.s32 @!p0 $0x2000  }
0x9d: {  	[tilespmem:s25], [sflag:$0x3] =	stream.linear.gather @!p0 [hbm4b:s24+s26], $0xFA0, $0x38;
	[tilespmem:$0x1C800] =	vst v63  }
0x9e: {  	_ =	swait.ge [sflag:s16], $0xFA0  }
0x9f: {  	[sflag:s16] =	ssyncset.done $0x0  }
0xa0: {  	[sflag:s16] =	ssyncadd.s32 $0xFFFFF060  }
0xa1: {  	_ =	swait.ge [sflag:s17], $0xFA0  }
0xa2: {  	[sflag:s17] =	ssyncset.done $0x0  }
0xa3: {  	s31 =	simm.s32 $0x1050;
	s26 =	simm.s32 $0x0;
	[sflag:s17] =	ssyncadd.s32 $0xFFFFF060  }
0xa4: {  	s29 =	sand.u32 $0xFE0, s26;
	v1 =	vld [tilespmem:s31+$0x40]  }
0xa5: {  	v2 =	vld [tilespmem:s29+$0x1080]  }
0xa6: {  	v3 =	vld [tilespmem:s31+$0xFFFFFFC0]  }
0xa7: {  	v4 =	vld [tilespmem:s31+$0xFFFFFFD0]  }
0xa8: {  	v5 =	vld [tilespmem:s31+$0xFFFFFFE0]  }
0xa9: {  	(erf) = vrcp.f32 v1  }
0xaa: {  	(erf) = vrcp.f32 v2  }
0xab: {  	v6 =	vld [tilespmem:s31+$0xFFFFFFF0];
	(erf) = vrcp.f32 v3  }
0xac: {  	v1 =	vld [tilespmem:s31+$0x0];
	(erf) = vrcp.f32 v4  }
0xad: {  	v2 =	vld [tilespmem:s31+$0x10];
	(erf) = vrcp.f32 v5  }
0xae: {  	v3 =	vld [tilespmem:s31+$0x20]  }
0xaf: {  	v4 =	vld [tilespmem:s31+$0xFFFFFFB0]  }
0xb0: {  	(erf) = vrcp.f32 v6  }
0xb1: {  	(erf) = vrcp.f32 v1  }
0xb2: {  	(erf) = vrcp.f32 v2;
	v1 =	vpop (erf)  }
0xb3: {  	(erf) = vrcp.f32 v3;
	v1 =	vmul.f32 v1, v1;
	v2 =	vpop (erf)  }
0xb4: {  	(erf) = vrcp.f32 v4;
	v2 =	vmul.f32 v2, v2;
	v3 =	vpop (erf)  }
0xb5: {  	v3 =	vmul.f32 v3, v3;
	v4 =	vmul.f32 v1, v1;
	v5 =	vpop (erf)  }
0xb6: {  	v5 =	vmul.f32 v5, v5;
	v6 =	vmul.f32 v2, v2;
	v7 =	vpop (erf)  }
0xb7: {  	v7 =	vmul.f32 v7, v7;
	v1 =	vmul.f32 v4, v1  }
0xb8: {  	v14 =	vmul.f32 v3, v3;
	v2 =	vmul.f32 v6, v2  }
0xb9: {  	v17 =	vmul.f32 v5, v5;
	v8 =	vmul.f32 v1, v1  }
0xba: {  	s30 =	simm.s32 $0x3050;
	v4 =	vpop (erf);
	v19 =	vmul.f32 v7, v7;
	v3 =	vmul.f32 v14, v3  }
0xbb: {  	v10 =	vld [tilespmem:s30+$0x40];
	v4 =	vmul.f32 v4, v4;
	v6 =	vpop (erf);
	v11 =	vmul.f32 v2, v2  }
0xbc: {  	v13 =	vld [tilespmem:s29+$0x3080];
	v5 =	vmul.f32 v17, v5;
	v6 =	vmul.f32 v6, v6;
	v9 =	vpop (erf)  }
0xbd: {  	v16 =	vld [tilespmem:s30+$0xFFFFFFB0];
	v7 =	vmul.f32 v19, v7;
	v9 =	vmul.f32 v9, v9;
	v12 =	vpop (erf)  }
0xbe: {  	v18 =	vld [tilespmem:s30+$0xFFFFFFC0];
	v20 =	vmul.f32 v4, v4;
	v12 =	vmul.f32 v12, v12;
	v15 =	vpop (erf)  }
0xbf: {  	s28 =	simm.s32 $0x10F0;
	s24 =	simm.s32 $0xA0;
	v21 =	vld [tilespmem:s30+$0xFFFFFFD0];
	v1 =	vsub.f32 v8, v1;
	v23 =	vmul.f32 v6, v6;
	v15 =	vmul.f32 v15, v15  }
0xc0: {  	s31 =	sand.u32 $0xFE0, s24;
	v2 =	vsub.f32 v11, v2;
	v11 =	vld [tilespmem:s28+$0x40];
	v25 =	vmul.f32 v9, v9;
	v4 =	vmul.f32 v20, v4  }
0xc1: {  	v14 =	vld [tilespmem:s31+$0x1080];
	v20 =	vmul.f32 v3, v3;
	v22 =	vmul.f32 v15, v15  }
0xc2: {  	v17 =	vld [tilespmem:s28+$0xFFFFFFC0];
	v1 =	vadd.f32 v1, v1;
	v26 =	vmul.f32 v12, v12;
	v6 =	vmul.f32 v23, v6  }
0xc3: {  	v2 =	vadd.f32 v2, v2;
	v23 =	vmul.f32 v5, v5;
	v15 =	vmul.f32 v22, v15;
	v22 =	vld [tilespmem:s28+$0xFFFFFFD0]  }
0xc4: {  	v1 =	vadd.f32 $2.739720980e-03, v1;
	v9 =	vmul.f32 v25, v9;
	v12 =	vmul.f32 v26, v12;
	v26 =	vld [tilespmem:s28+$0xFFFFFFE0]  }
0xc5: {  	v27 =	vld [tilespmem:s28+$0xFFFFFFF0];
	v2 =	vadd.f32 $2.739720980e-03, v2;
	v25 =	vmul.f32 v7, v7;
	(erf) = vrcp.f32 v11  }
0xc6: {  	v3 =	vsub.f32 v20, v3;
	v20 =	vld [tilespmem:s28+$0x0];
	v11 =	vmul.f32 v6, v6;
	(erf) = vrcp.f32 v14  }
0xc7: {  	v5 =	vsub.f32 v23, v5;
	v23 =	vld [tilespmem:s28+$0x10];
	v14 =	vmul.f32 v9, v9;
	(erf) = vrcp.f32 v17  }
0xc8: {  	v7 =	vsub.f32 v25, v7;
	v25 =	vld [tilespmem:s28+$0x20];
	v19 =	vmul.f32 v15, v15;
	(erf) = vrcp.f32 v22  }
0xc9: {  	v3 =	vadd.f32 v3, v3;
	v6 =	vsub.f32 v11, v6;
	v11 =	vld [tilespmem:s28+$0xFFFFFFB0];
	(erf) = vrcp.f32 v26  }
0xca: {  	v24 =	vld [tilespmem:s30+$0xFFFFFFE0];
	v17 =	vmul.f32 v12, v12;
	v15 =	vsub.f32 v19, v15;
	(erf) = vrcp.f32 v27  }
0xcb: {  	v8 =	vld [tilespmem:s30+$0xFFFFFFF0];
	v5 =	vadd.f32 v5, v5;
	v19 =	vmul.f32 v4, v4;
	(erf) = vrcp.f32 v20  }
0xcc: {  	[tilespmem:v10+s15+$0x0] =	vst.idx.add.f32.msk $0xffff, v1;
	v9 =	vsub.f32 v14, v9;
	v10 =	vadd.f32 v15, v15;
	(erf) = vrcp.f32 v23  }
0xcd: {  	v1 =	vld [tilespmem:s30+$0x10];
	v7 =	vadd.f32 v7, v7;
	v4 =	vsub.f32 v19, v4;
	(erf) = vrcp.f32 v25  }
0xce: {  	v14 =	vld [tilespmem:s30+$0x0];
	v3 =	vadd.f32 $2.739720980e-03, v3;
	v10 =	vadd.f32 $2.739720980e-03, v10;
	(erf) = vrcp.f32 v11;
	v11 =	vpop (erf)  }
0xcf: {  	[tilespmem:v13+s15+$0x0] =	vst.idx.add.f32.msk $0xffff, v2;
	v5 =	vadd.f32 $2.739720980e-03, v5;
	v4 =	vadd.f32 v4, v4;
	v13 =	vmul.f32 v11, v11  }
0xd0: {  	v12 =	vsub.f32 v17, v12;
	v6 =	vadd.f32 v6, v6;
	[tilespmem:v18+s15+$0x0] =	vst.idx.add.f32.msk $0xffff, v3  }
0xd1: {  	v7 =	vadd.f32 $2.739720980e-03, v7;
	[tilespmem:v21+s15+$0x0] =	vst.idx.add.f32.msk $0xffff, v5;
	v3 =	vadd.f32 $2.739720980e-03, v4;
	v11 =	vpop (erf);
	v4 =	vmul.f32 v13, v13  }
0xd2: {  	v9 =	vadd.f32 v9, v9;
	[tilespmem:v16+s15+$0x0] =	vst.idx.add.f32.msk $0xffff, v10;
	v16 =	vmul.f32 v11, v11;
	v10 =	vpop (erf)  }
0xd3: {  	v5 =	vadd.f32 $2.739720980e-03, v6;
	[tilespmem:v24+s15+$0x0] =	vst.idx.add.f32.msk $0xffff, v7;
	v10 =	vmul.f32 v10, v10;
	v11 =	vpop (erf);
	v7 =	vmul.f32 v4, v13  }
0xd4: {  	v2 =	vld [tilespmem:s30+$0x20];
	v15 =	vadd.f32 v12, v12;
	v11 =	vmul.f32 v11, v11;
	v6 =	vmul.f32 v16, v16;
	v12 =	vpop (erf)  }
0xd5: {  	[tilespmem:v8+s15+$0x0] =	vst.idx.add.f32.msk $0xffff, v3;
	v12 =	vmul.f32 v12, v12;
	v4 =	vpop (erf);
	v8 =	vmul.f32 v7, v7  }
0xd6: {  	s25 =	simm.s32 $0x30F0;
	[tilespmem:v14+s15+$0x0] =	vst.idx.add.f32.msk $0xffff, v5;
	v6 =	vmul.f32 v6, v16;
	v13 =	vmul.f32 v4, v4;
	v4 =	vpop (erf)  }
0xd7: {  	v19 =	vmul.f32 v10, v10;
	v16 =	vld [tilespmem:s25+$0x40];
	v21 =	vmul.f32 v11, v11;
	v5 =	vpop (erf)  }
0xd8: {  	v17 =	vld [tilespmem:s31+$0x3080];
	v3 =	vadd.f32 $2.739720980e-03, v9;
	v20 =	vmul.f32 v6, v6;
	v14 =	vmul.f32 v4, v4;
	v9 =	vpop (erf)  }
0xd9: {  	v4 =	vadd.f32 $2.739720980e-03, v15;
	v7 =	vsub.f32 v8, v7;
	v15 =	vmul.f32 v5, v5;
	v5 =	vld [tilespmem:s25+$0xFFFFFFB0];
	v8 =	vpop (erf)  }
0xda: {  	v18 =	vmul.f32 v9, v9;
	v9 =	vld [tilespmem:s25+$0xFFFFFFC0];
	v22 =	vmul.f32 v8, v8;
	v8 =	vsub.f32 v20, v6  }
0xdb: {  	v23 =	vmul.f32 v12, v12;
	v29 =	vadd.f32 v7, v7;
	v7 =	vld [tilespmem:s25+$0xFFFFFFE0];
	v25 =	vmul.f32 v14, v14  }
0xdc: {  	v6 =	vld [tilespmem:s25+$0xFFFFFFD0];
	v20 =	vmul.f32 v13, v13;
	v27 =	vmul.f32 v22, v22;
	v28 =	vadd.f32 v8, v8  }
0xdd: {  	s26 =	simm.s32 $0xA;
	s28 =	simm.s32 $0x1190;
	v26 =	vmul.f32 v15, v15;
	v24 =	vmul.f32 v18, v18;
	v29 =	vadd.f32 $2.739720980e-03, v29;
	v8 =	vld [tilespmem:s25+$0xFFFFFFF0]  }
.LBB2_7:
0xde: {  	v30 =	vld [tilespmem:s28+$0x40];
	v22 =	vmul.f32 v27, v22;
	v10 =	vmul.f32 v19, v10;
	v19 =	vadd.f32 $2.739720980e-03, v28  }
0xdf: {  	v11 =	vmul.f32 v21, v11;
	v12 =	vmul.f32 v23, v12;
	s24 =	sadd.s32 $0xA0, s24;
	[tilespmem:v16+s15+$0x0] =	vst.idx.add.f32.msk $0xffff, v29  }
0xe0: {  	s26 =	sadd.s32 $0xA, s26;
	v13 =	vmul.f32 v20, v13;
	v14 =	vmul.f32 v25, v14;
	s29 =	sand.u32 $0xFE0, s24;
	[tilespmem:v17+s15+$0x0] =	vst.idx.add.f32.msk $0xffff, v19  }
0xe1: {  	p0 =	slt.u32 s26, $0xF0;
	v15 =	vmul.f32 v26, v15;
	v17 =	vmul.f32 v24, v18;
	v16 =	vld [tilespmem:s29+$0x1080]  }
0xe2: {  	v19 =	vmul.f32 v22, v22;
	v20 =	vmul.f32 v10, v10;
	v18 =	vld [tilespmem:s28+$0xFFFFFFC0]  }
0xe3: {  	v23 =	vmul.f32 v11, v11;
	v24 =	vmul.f32 v12, v12;
	v21 =	vld [tilespmem:s28+$0xFFFFFFD0]  }
0xe4: {  	v26 =	vmul.f32 v14, v14;
	v19 =	vsub.f32 v19, v22;
	v22 =	vmul.f32 v13, v13;
	v25 =	vld [tilespmem:s28+$0xFFFFFFE0]  }
0xe5: {  	v10 =	vsub.f32 v20, v10;
	v20 =	vmul.f32 v15, v15;
	v27 =	vld [tilespmem:s28+$0xFFFFFFF0];
	(erf) = vrcp.f32 v30  }
0xe6: {  	v11 =	vsub.f32 v23, v11;
	v28 =	vld [tilespmem:s28+$0x0];
	(erf) = vrcp.f32 v16;
	v16 =	vmul.f32 v17, v17  }
0xe7: {  	v12 =	vsub.f32 v24, v12;
	v13 =	vsub.f32 v22, v13;
	v23 =	vld [tilespmem:s28+$0x10];
	(erf) = vrcp.f32 v18  }
0xe8: {  	v14 =	vsub.f32 v26, v14;
	v15 =	vsub.f32 v20, v15;
	v18 =	vld [tilespmem:s28+$0x20];
	(erf) = vrcp.f32 v21  }
0xe9: {  	v19 =	vadd.f32 v19, v19;
	v16 =	vsub.f32 v16, v17;
	v20 =	vld [tilespmem:s28+$0xFFFFFFB0];
	(erf) = vrcp.f32 v25  }
0xea: {  	v10 =	vadd.f32 v10, v10;
	v11 =	vadd.f32 v11, v11;
	(erf) = vrcp.f32 v27;
	v17 =	vld [tilespmem:s25+$0x0]  }
0xeb: {  	v12 =	vadd.f32 v12, v12;
	v13 =	vadd.f32 v13, v13;
	(erf) = vrcp.f32 v28;
	v21 =	vld [tilespmem:s25+$0x10]  }
0xec: {  	v14 =	vadd.f32 v14, v14;
	v15 =	vadd.f32 v15, v15;
	(erf) = vrcp.f32 v23;
	v22 =	vld [tilespmem:s25+$0x20]  }
0xed: {  	v16 =	vadd.f32 v16, v16;
	(erf) = vrcp.f32 v18;
	v18 =	vadd.f32 $2.739720980e-03, v19;
	[tilespmem:v1+s15+$0x0] =	vst.idx.add.f32.msk $0xffff, v3  }
0xee: {  	v11 =	vadd.f32 $2.739720980e-03, v11;
	v3 =	vadd.f32 $2.739720980e-03, v10;
	(erf) = vrcp.f32 v20;
	v1 =	vpop (erf);
	[tilespmem:v2+s15+$0x0] =	vst.idx.add.f32.msk $0xffff, v4  }
0xef: {  	v13 =	vadd.f32 $2.739720980e-03, v13;
	v2 =	vmul.f32 v1, v1;
	v1 =	vpop (erf);
	[tilespmem:v5+s15+$0x0] =	vst.idx.add.f32.msk $0xffff, v18;
	v5 =	vadd.f32 $2.739720980e-03, v12  }
0xf0: {  	v18 =	vmul.f32 v1, v1;
	v1 =	vpop (erf);
	[tilespmem:v9+s15+$0x0] =	vst.idx.add.f32.msk $0xffff, v3;
	v9 =	vadd.f32 $2.739720980e-03, v14;
	v3 =	vadd.f32 $2.739720980e-03, v15  }
0xf1: {  	v4 =	vadd.f32 $2.739720980e-03, v16;
	v10 =	vmul.f32 v1, v1;
	v14 =	vmul.f32 v2, v2;
	v1 =	vpop (erf);
	[tilespmem:v6+s15+$0x0] =	vst.idx.add.f32.msk $0xffff, v11  }
0xf2: {  	v11 =	vmul.f32 v1, v1;
	v6 =	vmul.f32 v18, v18;
	v12 =	vpop (erf);
	[tilespmem:v7+s15+$0x0] =	vst.idx.add.f32.msk $0xffff, v5;
	v1 =	vmov v21  }
0xf3: {  	v12 =	vmul.f32 v12, v12;
	v7 =	vmul.f32 v14, v2;
	v5 =	vpop (erf);
	[tilespmem:v8+s15+$0x0] =	vst.idx.add.f32.msk $0xffff, v13;
	v2 =	vmov v22  }
0xf4: {  	s25 =	sadd.s32 $0xA0, s25;
	v13 =	vmul.f32 v5, v5;
	v6 =	vmul.f32 v6, v18;
	v5 =	vpop (erf);
	[tilespmem:v17+s15+$0x0] =	vst.idx.add.f32.msk $0xffff, v9  }
0xf5: {  	v14 =	vmul.f32 v5, v5;
	v16 =	vld [tilespmem:s25+$0x40];
	v21 =	vmul.f32 v7, v7;
	v5 =	vpop (erf)  }
0xf6: {  	v15 =	vmul.f32 v5, v5;
	v17 =	vld [tilespmem:s29+$0x3080];
	v20 =	vmul.f32 v6, v6;
	v9 =	vpop (erf)  }
.Ltmp2:
0xf7: {  	v19 =	vmul.f32 v10, v10;
	v5 =	vld [tilespmem:s25+$0xFFFFFFB0];
	v18 =	vmul.f32 v9, v9;
	v7 =	vsub.f32 v21, v7;
	v8 =	vpop (erf);
	(pc) =	sbr.rel @p0 .LBB2_7-.Ltmp2, $4  }
0xf8: {  	v21 =	vmul.f32 v11, v11;
	v22 =	vmul.f32 v8, v8;
	v9 =	vld [tilespmem:s25+$0xFFFFFFC0];
	v8 =	vsub.f32 v20, v6  }
0xf9: {  	v23 =	vmul.f32 v12, v12;
	v20 =	vmul.f32 v13, v13;
	v6 =	vld [tilespmem:s25+$0xFFFFFFD0];
	v29 =	vadd.f32 v7, v7  }
0xfa: {  	v25 =	vmul.f32 v14, v14;
	v27 =	vmul.f32 v22, v22;
	v7 =	vld [tilespmem:s25+$0xFFFFFFE0];
	v28 =	vadd.f32 v8, v8  }
0xfb: {  	s28 =	sadd.s32 $0xA0, s28;
	v26 =	vmul.f32 v15, v15;
	v24 =	vmul.f32 v18, v18;
	v8 =	vld [tilespmem:s25+$0xFFFFFFF0];
	v29 =	vadd.f32 $2.739720980e-03, v29  }
0xfc: {  	v22 =	vmul.f32 v27, v22  }
0xfd: {  	v10 =	vmul.f32 v19, v10;
	v11 =	vmul.f32 v21, v11  }
0xfe: {  	v12 =	vmul.f32 v23, v12;
	v13 =	vmul.f32 v20, v13  }
0xff: {  	v14 =	vmul.f32 v25, v14;
	v15 =	vmul.f32 v26, v15  }
0x100: {  	v50 =	vmul.f32 v24, v18;
	v49 =	vmul.f32 v22, v22  }
0x101: {  	v51 =	vmul.f32 v10, v10;
	v52 =	vmul.f32 v11, v11  }
0x102: {  	v48 =	vadd.f32 $2.739720980e-03, v28;
	[tilespmem:v16+s15+$0x0] =	vst.idx.add.f32.msk $0xffff, v29;
	v53 =	vmul.f32 v12, v12;
	v54 =	vmul.f32 v13, v13  }
0x103: {  	v55 =	vmul.f32 v14, v14;
	v16 =	vsub.f32 v49, v22;
	v10 =	vsub.f32 v51, v10  }
0x104: {  	v58 =	vld [tilespmem:s25+$0x0];
	v56 =	vmul.f32 v15, v15;
	v11 =	vsub.f32 v52, v11;
	v12 =	vsub.f32 v53, v12  }
0x105: {  	v59 =	vld [tilespmem:s25+$0x10];
	v57 =	vmul.f32 v50, v50;
	v13 =	vsub.f32 v54, v13;
	v14 =	vsub.f32 v55, v14  }
0x106: {  	v60 =	vld [tilespmem:s25+$0x20];
	v15 =	vsub.f32 v56, v15;
	v16 =	vadd.f32 v16, v16  }
0x107: {  	[tilespmem:v17+s15+$0x0] =	vst.idx.add.f32.msk $0xffff, v48;
	v17 =	vsub.f32 v57, v50;
	v10 =	vadd.f32 v10, v10  }
0x108: {  	[tilespmem:v1+s15+$0x0] =	vst.idx.add.f32.msk $0xffff, v3;
	v11 =	vadd.f32 v11, v11;
	v16 =	vadd.f32 $2.739720980e-03, v16  }
0x109: {  	[tilespmem:v2+s15+$0x0] =	vst.idx.add.f32.msk $0xffff, v4;
	v1 =	vadd.f32 v12, v12;
	v3 =	vadd.f32 $2.739720980e-03, v10  }
0x10a: {  	v2 =	vadd.f32 v13, v13;
	v61 =	vadd.f32 $2.739720980e-03, v11;
	[tilespmem:v5+s15+$0x0] =	vst.idx.add.f32.msk $0xffff, v16  }
0x10b: {  	s23 =	sadd.s32 $0x1, s23;
	v62 =	vadd.f32 v14, v14;
	v1 =	vadd.f32 $2.739720980e-03, v1;
	[tilespmem:v9+s15+$0x0] =	vst.idx.add.f32.msk $0xffff, v3  }
0x10c: {  	p0 =	sne.s32 s23, $0x19;
	v63 =	vadd.f32 v17, v17;
	v2 =	vadd.f32 $2.739720980e-03, v2;
	[tilespmem:v6+s15+$0x0] =	vst.idx.add.f32.msk $0xffff, v61  }
.Ltmp3:
0x10d: {  	v3 =	vadd.f32 v15, v15;
	v5 =	vadd.f32 $2.739720980e-03, v62;
	[tilespmem:v7+s15+$0x0] =	vst.idx.add.f32.msk $0xffff, v1;
	(pc) =	sbr.rel @p0 .LBB2_4-.Ltmp3, $4  }
0x10e: {  	[tilespmem:v8+s15+$0x0] =	vst.idx.add.f32.msk $0xffff, v2;
	v2 =	vadd.f32 $2.739720980e-03, v63  }
0x10f: {  	v1 =	vadd.f32 $2.739720980e-03, v3;
	[tilespmem:v58+s15+$0x0] =	vst.idx.add.f32.msk $0xffff, v5  }
0x110: {  	[tilespmem:v60+s15+$0x0] =	vst.idx.add.f32.msk $0xffff, v2  }
0x111: {  	[tilespmem:v59+s15+$0x0] =	vst.idx.add.f32.msk $0xffff, v1  }
0x112: {  	s21 =	sadd.s32 $0x1, s21  }
0x113: {  	p0 =	sne.s32 s21, s9  }
.Ltmp4:
0x114: {  	_ = 	snop;
	(pc) =	sbr.rel @p0 .LBB2_1-.Ltmp4, $4  }
0x115: {  	[hbm4b:s8+s18] =	stream.strided.scatter [tilespmem:s15], [sflag:$0x5], $0x18800, s19, s18, $0x38;
	[tilespmem:$0x1C800] =	vst v63  }
0x116: {  	_ =	swait.ge [sflag:s20], $0x18800  }
0x117: {  	[sflag:s20] =	ssyncset.done $0x0  }
0x118: {  	[sflag:s20] =	ssyncadd.s32 $0xFFFE7800  }
0x119: {  	_ =	sfence.sel $0x180000  }
0x11a: {  	[bflag:$0x0] =	sbarrier.arrive $0xFFFF  }
0x11b: {  	p0 =	sne.s32 s1, $0x0;
	_ =	strace $0x90000047  }
0x11c: {  	s0 =	sadd.s32 @!p0 $0x100000, s0;
	[bflag:$0x2] =	sbarrier.arrive $0xFFFF  }
0x11d: {  	[sflag:s0] =	ssyncadd.tile.s32 @!p0 $0x1;
	_ =	shalt  }
.Lfunc_end2:
_tile_overlayer_lowered:
.L_overlay_start_2:
0x11e: {  	(tag) =	ssettag $0x2  }
0x11f: {  	s0 =	rddreg [dreg:$0x0];
	s2 =	stileid.u32  }
0x120: {  	s1 =	rddreg [dreg:$0x1];
	p0 =	sne.s32 s2, $0x0  }
0x121: {  	s3 =	rddreg [dreg:$0x2];
	[bflag:$0x3] =	sbarrier.arrive $0xFFFF;
	s2 =	simm.s32 @!p0 $0x1C05  }
0x122: {  	[timem:s3], [sflag:s2] =	dma.local @!p0 [hbm:s0], s1  }
0x123: {  	s0 =	simm.s32 @!p0 $0x5  }
0x124: {  	_ =	swait.ge @!p0 [sflag:s0], s1  }
0x125: {  	s1 =	ssub.s32 @!p0 $0x0, s1;
	[sflag:s0] =	ssyncset.done @!p0 $0x0  }
0x126: {  	[sflag:s0] =	ssyncadd.s32 @!p0 s1  }
0x127: {  	[bflag:$0x3] =	sbarrier.arrive $0xFFFF  }
0x128: {  	_ =	shalt  }

</sc_bundles>
